<compile_context>
chip_gen: v7x
topology: tpu7x:2x2x1
jax: 0.10.2.dev20260603
libtpu: 0.0.44.dev20260713+nightly
codegen_flags: <defaults>
</compile_context>

<pallas_src>
import jax
import jax.numpy as jnp
from jax import lax
from jax.experimental import pallas as pl
from jax.experimental.pallas import tpu as pltpu
from jax.experimental.pallas import tpu_sc as plsc

_VOCAB = 1000000
_EMBED = 64
_BATCH = 4096
_SEQ = 200
_SEQP = 208
_NC = 2
_NS = 16
_NW = _NC * _NS
_ROWS_PER_W = _BATCH // _NW
_IDX_PER_W = _ROWS_PER_W * _SEQP
_TC_BLK = 2 ** 14


def _tw_body(t_ref, w_ref, o_ref):
    o = lax.dot_general(
        w_ref[...], t_ref[...], (((1,), (0,)), ((), ())),
        preferred_element_type=jnp.float32)
    o_ref[...] = o[0]


def _table_times_w(tt, wT):
    n_blk = (_VOCAB + _TC_BLK - 1) // _TC_BLK
    return pl.pallas_call(
        _tw_body,
        grid=(n_blk,),
        in_specs=[
            pl.BlockSpec((_EMBED, _TC_BLK), lambda i: (0, i)),
            pl.BlockSpec((1, _EMBED), lambda i: (0, 0)),
        ],
        out_specs=pl.BlockSpec((_TC_BLK,), lambda i: (i,)),
        out_shape=jax.ShapeDtypeStruct((_VOCAB,), jnp.float32),
    )(tt, wT)


def _sc_body(tw_hbm, xt_hbm, b_hbm, out_hbm,
             idx_v, vals_v, res_v, b_v, tw_sh, sem):
    sid = lax.axis_index("s")
    wid = sid * _NC + lax.axis_index("c")
    base = wid * _ROWS_PER_W

    pltpu.sync_copy(xt_hbm.at[pl.ds(wid * _IDX_PER_W, _IDX_PER_W)], idx_v)
    pltpu.sync_copy(b_hbm, b_v)
    bvec = b_v[...]

    @pl.when(sid == 0)
    def _():
        pltpu.sync_copy(tw_hbm, tw_sh)
    plsc.subcore_barrier()

    cp = pltpu.async_copy(tw_sh.at[idx_v], vals_v, sem)

    zero16 = jnp.zeros((16,), jnp.float32)
    cnts = []
    for sub in range(_ROWS_PER_W // 16):
        def cntbody(c, cnt):
            ii = idx_v[pl.ds(c * _ROWS_PER_W + sub * 16, 16)]
            return cnt + jnp.minimum(ii, 1).astype(jnp.float32)
        cnts.append(lax.fori_loop(0, _SEQP, cntbody, zero16))

    cp.wait()
    for sub in range(_ROWS_PER_W // 16):
        def sumbody(c, s):
            return s + vals_v[pl.ds(c * _ROWS_PER_W + sub * 16, 16)]
        s = lax.fori_loop(0, _SEQP, sumbody, zero16)
        z = s / (cnts[sub] + 1e-8) + bvec
        res_v[pl.ds(sub * 16, 16)] = 1.0 / (1.0 + jnp.exp(-z))

    pltpu.sync_copy(res_v, out_hbm.at[pl.ds(base, _ROWS_PER_W)])


def _sc_call():
    return pl.kernel(
        _sc_body,
        out_type=jax.ShapeDtypeStruct((_BATCH,), jnp.float32),
        mesh=plsc.VectorSubcoreMesh(
            core_axis_name="c", subcore_axis_name="s",
            num_cores=_NC, num_subcores=_NS),
        scratch_types=[
            pltpu.VMEM((_IDX_PER_W,), jnp.int32),
            pltpu.VMEM((_IDX_PER_W,), jnp.float32),
            pltpu.VMEM((_ROWS_PER_W,), jnp.float32),
            pltpu.VMEM((16,), jnp.float32),
            pltpu.VMEM_SHARED((_VOCAB,), jnp.float32),
            pltpu.SemaphoreType.DMA,
        ],
    )


def kernel(x, lengths, table, W, b):
    del lengths
    tt = table.T
    wT = W.reshape(1, _EMBED)
    tw = _table_times_w(tt, wT)

    xp = jnp.concatenate(
        [x, jnp.zeros((_BATCH, _SEQP - _SEQ), jnp.int32)], axis=1
    )
    xt = xp.reshape(_NW, _ROWS_PER_W, _SEQP).transpose(0, 2, 1).reshape(-1)
    b16 = jnp.broadcast_to(b.reshape(()), (16,))
    return _sc_call()(tw, xt, b16)

# --- scband reference (transcript-rebuilt; emitter-appended) ---
"""Pipeline reference for scband-mean-embedder-27754078667188 (READ-ONLY COPY).

The authoritative reference and input builder live on the scoring server;
editing this copy changes nothing except your own understanding.
"""

import jax, jax.numpy as jnp
import numpy as np

VOCAB = 1000000
EMBED_DIM = 64
BATCH = 4096
SEQ = 200
PAD_IDX = 0


def setup_inputs(seed: int = 0) -> dict:
    key = jax.random.key(seed)
    k1, k2, k3, k4, k5 = jax.random.split(key, 5)
    x = jax.random.randint(k1, (BATCH, SEQ), 0, VOCAB, dtype=jnp.int64 if jax.config.jax_enable_x64 else jnp.int32).astype(jnp.int32)
    lengths = jax.random.randint(k2, (BATCH,), 0, SEQ, dtype=jnp.int32)
    table = jax.random.normal(k3, (VOCAB, EMBED_DIM), dtype=jnp.float32)
    # padding_idx row is zeroed in torch nn.Embedding
    table = table.at[PAD_IDX].set(0.0)
    W = jax.random.normal(k4, (EMBED_DIM, 1), dtype=jnp.float32) * 0.1
    b = jnp.zeros((1,), dtype=jnp.float32)
    return {"x": x, "lengths": lengths, "table": table, "W": W, "b": b}


def reference(x, lengths, table, W, b):
    # mask out PAD tokens (eval mode: dropout is identity)
    mask = (x != PAD_IDX).astype(jnp.float32)[..., None]          # [B, L, 1]
    emb = jnp.take(table, x, axis=0)                               # [B, L, D] gather
    emb = emb * mask
    summed = emb.sum(axis=1)                                       # [B, D]
    length = mask.sum(axis=1)                                      # [B, 1]
    mean = summed / (length + 1e-08)
    logits = mean @ W + b                                          # [B, 1]
    out = jax.nn.sigmoid(logits)[:, 0]                             # [B]
    return out

if __name__ == "__main__":
    import jax
    _d = setup_inputs()
    print(jax.jit(kernel)(*tuple(_d.values())))

</pallas_src>

<mosaic_0001>
#map = affine_map<(d0, d1) -> (0)>
module attributes {stable_mosaic.version = 14 : i64} {
  func.func @_sc_body(%arg0: i32, %arg1: i32, %arg2: memref<1000000xf32, #tpu.memory_space<hbm>>, %arg3: memref<851968xi32, #tpu.memory_space<hbm>>, %arg4: memref<16xf32, #tpu.memory_space<hbm>>, %arg5: memref<4096xf32, #tpu.memory_space<hbm>>, %arg6: memref<26624xi32, #tpu.memory_space<vmem>>, %arg7: memref<26624xf32, #tpu.memory_space<vmem>>, %arg8: memref<128xf32, #tpu.memory_space<vmem>>, %arg9: memref<16xf32, #tpu.memory_space<vmem>>, %arg10: memref<1000000xf32, #tpu.memory_space<vmem_shared>>, %arg11: memref<!tpu.dma_semaphore, #tpu.memory_space<semaphore_mem>>) attributes {dimension_semantics = [#tpu.dimension_semantics<core_parallel>, #tpu.dimension_semantics<subcore_parallel>], iteration_bounds = array<i64: 2, 16>, scalar_prefetch = 0 : i64, scratch_operands = 6 : i64, tpu.core_type = #tpu.core_type<sc_vector_subcore>, window_params = [{transform_indices = #map}, {transform_indices = #map}, {transform_indices = #map}, {transform_indices = #map}]} {
    %mul3A = arith.constant 2 : i32
    %mul3A_0 = arith.muli %arg1, %mul3A : i32
    %add3A = arith.addi %mul3A_0, %arg0 : i32
    %mul3A_1 = arith.constant 128 : i32
    %mul3A_2 = arith.muli %add3A, %mul3A_1 : i32
    %mul3A_3 = arith.constant 26624 : i32
    %mul3A_4 = arith.muli %add3A, %mul3A_3 : i32
    "tpu.region"() ({
      %run_scoped3A = tpu.sem_alloc : memref<!tpu.dma_semaphore, #tpu.memory_space<semaphore_mem>>
      %dma_start3A_255 = tpu.memref_slice %arg3[%mul3A_4] : memref<851968xi32, #tpu.memory_space<hbm>> -> memref<26624xi32, #tpu.memory_space<hbm>>
      %dma_start3A_256 = tpu.memref_slice %arg3[%mul3A_4] : memref<851968xi32, #tpu.memory_space<hbm>> -> memref<26624xi32, #tpu.memory_space<hbm>>
      tpu.enqueue_dma source(%dma_start3A_256 : memref<26624xi32, #tpu.memory_space<hbm>>) target(%arg6 : memref<26624xi32, #tpu.memory_space<vmem>>) target_semaphore(%run_scoped3A : memref<!tpu.dma_semaphore, #tpu.memory_space<semaphore_mem>>)
      %dma_wait3A_257 = tpu.memref_slice %arg3[%mul3A_4] : memref<851968xi32, #tpu.memory_space<hbm>> -> memref<26624xi32, #tpu.memory_space<hbm>>
      %dma_wait3A_258 = tpu.memref_slice %arg3[%mul3A_4] : memref<851968xi32, #tpu.memory_space<hbm>> -> memref<26624xi32, #tpu.memory_space<hbm>>
      tpu.wait_dma2 semaphore(%run_scoped3A : memref<!tpu.dma_semaphore, #tpu.memory_space<semaphore_mem>>) src(%dma_wait3A_258 : memref<26624xi32, #tpu.memory_space<hbm>>) dst(%arg6 : memref<26624xi32, #tpu.memory_space<vmem>>)
      tpu.yield
    }) : () -> ()
    "tpu.region"() ({
      %run_scoped3A = tpu.sem_alloc : memref<!tpu.dma_semaphore, #tpu.memory_space<semaphore_mem>>
      tpu.enqueue_dma source(%arg4 : memref<16xf32, #tpu.memory_space<hbm>>) target(%arg9 : memref<16xf32, #tpu.memory_space<vmem>>) target_semaphore(%run_scoped3A : memref<!tpu.dma_semaphore, #tpu.memory_space<semaphore_mem>>)
      tpu.wait_dma2 semaphore(%run_scoped3A : memref<!tpu.dma_semaphore, #tpu.memory_space<semaphore_mem>>) src(%arg4 : memref<16xf32, #tpu.memory_space<hbm>>) dst(%arg9 : memref<16xf32, #tpu.memory_space<vmem>>)
      tpu.yield
    }) : () -> ()
    %get3A = arith.constant 0 : index
    %get3A_5 = tpu.vector_load %arg9[%get3A] {strides = array<i32>} : memref<16xf32, #tpu.memory_space<vmem>>, vector<16xf32>,
    %get3A_6 = vector.shape_cast %get3A_5 : vector<16xf32> to vector<16xf32>
    %eq3A = arith.constant 0 : i32
    %eq3A_7 = arith.cmpi eq, %arg1, %eq3A : i32
    %convert_element_type3A = arith.extui %eq3A_7 : i1 to i32
    %cond3A = arith.constant 0 : i32
    %cond3A_8 = arith.cmpi ne, %convert_element_type3A, %cond3A : i32
    scf.if %cond3A_8 {
      "tpu.region"() ({
        %run_scoped3A = tpu.sem_alloc : memref<!tpu.dma_semaphore, #tpu.memory_space<semaphore_mem>>
        tpu.enqueue_dma source(%arg2 : memref<1000000xf32, #tpu.memory_space<hbm>>) target(%arg10 : memref<1000000xf32, #tpu.memory_space<vmem_shared>>) target_semaphore(%run_scoped3A : memref<!tpu.dma_semaphore, #tpu.memory_space<semaphore_mem>>)
        tpu.wait_dma2 semaphore(%run_scoped3A : memref<!tpu.dma_semaphore, #tpu.memory_space<semaphore_mem>>) src(%arg2 : memref<1000000xf32, #tpu.memory_space<hbm>>) dst(%arg10 : memref<1000000xf32, #tpu.memory_space<vmem_shared>>)
        tpu.yield
      }) : () -> ()
    } else {
    }
    %barrier3A = arith.constant 0 : index
    tpu.barrier barrier_id(%barrier3A)
    %dma_start3A = arith.constant 0 : i32
    %dma_start3A_9 = tpu.memref_slice %arg10[%dma_start3A] : memref<1000000xf32, #tpu.memory_space<vmem_shared>> -> memref<1000000xf32, #tpu.memory_space<vmem_shared>>
    tpu.enqueue_indirect_dma source(%dma_start3A_9 : memref<1000000xf32, #tpu.memory_space<vmem_shared>>) target(%arg7 : memref<26624xf32, #tpu.memory_space<vmem>>) offsets(%arg6 : memref<26624xi32, #tpu.memory_space<vmem>>) semaphore(%arg11 : memref<!tpu.dma_semaphore, #tpu.memory_space<semaphore_mem>>)
    %broadcast_in_dim3A = arith.constant 0.000000e+00 : f32
    %broadcast_in_dim3A_10 = vector.broadcast %broadcast_in_dim3A : f32 to vector<16xf32>
    %scan3A = arith.constant 0 : i32
    %scan3A_11 = arith.constant 208 : i32
    %scan3A_12 = arith.addi %scan3A, %scan3A_11 : i32
    %scan3A_13 = arith.constant 1 : i32
    %scan3A_14 = scf.for %scan3A_255 = %scan3A to %scan3A_12 step %scan3A_13 iter_args(%scan3A_256 = %broadcast_in_dim3A_10) -> (vector<16xf32>)  : i32 {
      %mul3A_257 = arith.constant 128 : i32
      %mul3A_258 = arith.muli %scan3A_255, %mul3A_257 : i32
      %add3A_259 = arith.constant 0 : i32
      %add3A_260 = arith.addi %mul3A_258, %add3A_259 : i32
      %get3A_261 = arith.index_cast %add3A_260 : i32 to index
      %get3A_262 = tpu.vector_load %arg6[%get3A_261] {strides = array<i32>} : memref<26624xi32, #tpu.memory_space<vmem>>, vector<16xi32>,
      %get3A_263 = vector.shape_cast %get3A_262 : vector<16xi32> to vector<16xi32>
      %min3A = arith.constant 1 : i32
      %min3A_264 = vector.broadcast %min3A : i32 to vector<16xi32>
      %min3A_265 = arith.minsi %get3A_263, %min3A_264 : vector<16xi32>
      %convert_element_type3A_266 = arith.sitofp %min3A_265 : vector<16xi32> to vector<16xf32>
      %add3A_267 = arith.addf %scan3A_256, %convert_element_type3A_266 : vector<16xf32>
      scf.yield %add3A_267 : vector<16xf32>
    }
    %scan3A_15 = arith.constant 208 : i32
    %scan3A_16 = arith.constant 0 : i32
    %scan3A_17 = arith.constant 208 : i32
    %scan3A_18 = arith.addi %scan3A_16, %scan3A_17 : i32
    %scan3A_19 = arith.constant 1 : i32
    %scan3A_20 = scf.for %scan3A_255 = %scan3A_16 to %scan3A_18 step %scan3A_19 iter_args(%scan3A_256 = %broadcast_in_dim3A_10) -> (vector<16xf32>)  : i32 {
      %mul3A_257 = arith.constant 128 : i32
      %mul3A_258 = arith.muli %scan3A_255, %mul3A_257 : i32
      %add3A_259 = arith.constant 16 : i32
      %add3A_260 = arith.addi %mul3A_258, %add3A_259 : i32
      %get3A_261 = arith.index_cast %add3A_260 : i32 to index
      %get3A_262 = tpu.vector_load %arg6[%get3A_261] {strides = array<i32>} : memref<26624xi32, #tpu.memory_space<vmem>>, vector<16xi32>,
      %get3A_263 = vector.shape_cast %get3A_262 : vector<16xi32> to vector<16xi32>
      %min3A = arith.constant 1 : i32
      %min3A_264 = vector.broadcast %min3A : i32 to vector<16xi32>
      %min3A_265 = arith.minsi %get3A_263, %min3A_264 : vector<16xi32>
      %convert_element_type3A_266 = arith.sitofp %min3A_265 : vector<16xi32> to vector<16xf32>
      %add3A_267 = arith.addf %scan3A_256, %convert_element_type3A_266 : vector<16xf32>
      scf.yield %add3A_267 : vector<16xf32>
    }
    %scan3A_21 = arith.constant 208 : i32
    %scan3A_22 = arith.constant 0 : i32
    %scan3A_23 = arith.constant 208 : i32
    %scan3A_24 = arith.addi %scan3A_22, %scan3A_23 : i32
    %scan3A_25 = arith.constant 1 : i32
    %scan3A_26 = scf.for %scan3A_255 = %scan3A_22 to %scan3A_24 step %scan3A_25 iter_args(%scan3A_256 = %broadcast_in_dim3A_10) -> (vector<16xf32>)  : i32 {
      %mul3A_257 = arith.constant 128 : i32
      %mul3A_258 = arith.muli %scan3A_255, %mul3A_257 : i32
      %add3A_259 = arith.constant 32 : i32
      %add3A_260 = arith.addi %mul3A_258, %add3A_259 : i32
      %get3A_261 = arith.index_cast %add3A_260 : i32 to index
      %get3A_262 = tpu.vector_load %arg6[%get3A_261] {strides = array<i32>} : memref<26624xi32, #tpu.memory_space<vmem>>, vector<16xi32>,
      %get3A_263 = vector.shape_cast %get3A_262 : vector<16xi32> to vector<16xi32>
      %min3A = arith.constant 1 : i32
      %min3A_264 = vector.broadcast %min3A : i32 to vector<16xi32>
      %min3A_265 = arith.minsi %get3A_263, %min3A_264 : vector<16xi32>
      %convert_element_type3A_266 = arith.sitofp %min3A_265 : vector<16xi32> to vector<16xf32>
      %add3A_267 = arith.addf %scan3A_256, %convert_element_type3A_266 : vector<16xf32>
      scf.yield %add3A_267 : vector<16xf32>
    }
    %scan3A_27 = arith.constant 208 : i32
    %scan3A_28 = arith.constant 0 : i32
    %scan3A_29 = arith.constant 208 : i32
    %scan3A_30 = arith.addi %scan3A_28, %scan3A_29 : i32
    %scan3A_31 = arith.constant 1 : i32
    %scan3A_32 = scf.for %scan3A_255 = %scan3A_28 to %scan3A_30 step %scan3A_31 iter_args(%scan3A_256 = %broadcast_in_dim3A_10) -> (vector<16xf32>)  : i32 {
      %mul3A_257 = arith.constant 128 : i32
      %mul3A_258 = arith.muli %scan3A_255, %mul3A_257 : i32
      %add3A_259 = arith.constant 48 : i32
      %add3A_260 = arith.addi %mul3A_258, %add3A_259 : i32
      %get3A_261 = arith.index_cast %add3A_260 : i32 to index
      %get3A_262 = tpu.vector_load %arg6[%get3A_261] {strides = array<i32>} : memref<26624xi32, #tpu.memory_space<vmem>>, vector<16xi32>,
      %get3A_263 = vector.shape_cast %get3A_262 : vector<16xi32> to vector<16xi32>
      %min3A = arith.constant 1 : i32
      %min3A_264 = vector.broadcast %min3A : i32 to vector<16xi32>
      %min3A_265 = arith.minsi %get3A_263, %min3A_264 : vector<16xi32>
      %convert_element_type3A_266 = arith.sitofp %min3A_265 : vector<16xi32> to vector<16xf32>
      %add3A_267 = arith.addf %scan3A_256, %convert_element_type3A_266 : vector<16xf32>
      scf.yield %add3A_267 : vector<16xf32>
    }
    %scan3A_33 = arith.constant 208 : i32
    %scan3A_34 = arith.constant 0 : i32
    %scan3A_35 = arith.constant 208 : i32
    %scan3A_36 = arith.addi %scan3A_34, %scan3A_35 : i32
    %scan3A_37 = arith.constant 1 : i32
    %scan3A_38 = scf.for %scan3A_255 = %scan3A_34 to %scan3A_36 step %scan3A_37 iter_args(%scan3A_256 = %broadcast_in_dim3A_10) -> (vector<16xf32>)  : i32 {
      %mul3A_257 = arith.constant 128 : i32
      %mul3A_258 = arith.muli %scan3A_255, %mul3A_257 : i32
      %add3A_259 = arith.constant 64 : i32
      %add3A_260 = arith.addi %mul3A_258, %add3A_259 : i32
      %get3A_261 = arith.index_cast %add3A_260 : i32 to index
      %get3A_262 = tpu.vector_load %arg6[%get3A_261] {strides = array<i32>} : memref<26624xi32, #tpu.memory_space<vmem>>, vector<16xi32>,
      %get3A_263 = vector.shape_cast %get3A_262 : vector<16xi32> to vector<16xi32>
      %min3A = arith.constant 1 : i32
      %min3A_264 = vector.broadcast %min3A : i32 to vector<16xi32>
      %min3A_265 = arith.minsi %get3A_263, %min3A_264 : vector<16xi32>
      %convert_element_type3A_266 = arith.sitofp %min3A_265 : vector<16xi32> to vector<16xf32>
      %add3A_267 = arith.addf %scan3A_256, %convert_element_type3A_266 : vector<16xf32>
      scf.yield %add3A_267 : vector<16xf32>
    }
    %scan3A_39 = arith.constant 208 : i32
    %scan3A_40 = arith.constant 0 : i32
    %scan3A_41 = arith.constant 208 : i32
    %scan3A_42 = arith.addi %scan3A_40, %scan3A_41 : i32
    %scan3A_43 = arith.constant 1 : i32
    %scan3A_44 = scf.for %scan3A_255 = %scan3A_40 to %scan3A_42 step %scan3A_43 iter_args(%scan3A_256 = %broadcast_in_dim3A_10) -> (vector<16xf32>)  : i32 {
      %mul3A_257 = arith.constant 128 : i32
      %mul3A_258 = arith.muli %scan3A_255, %mul3A_257 : i32
      %add3A_259 = arith.constant 80 : i32
      %add3A_260 = arith.addi %mul3A_258, %add3A_259 : i32
      %get3A_261 = arith.index_cast %add3A_260 : i32 to index
      %get3A_262 = tpu.vector_load %arg6[%get3A_261] {strides = array<i32>} : memref<26624xi32, #tpu.memory_space<vmem>>, vector<16xi32>,
      %get3A_263 = vector.shape_cast %get3A_262 : vector<16xi32> to vector<16xi32>
      %min3A = arith.constant 1 : i32
      %min3A_264 = vector.broadcast %min3A : i32 to vector<16xi32>
      %min3A_265 = arith.minsi %get3A_263, %min3A_264 : vector<16xi32>
      %convert_element_type3A_266 = arith.sitofp %min3A_265 : vector<16xi32> to vector<16xf32>
      %add3A_267 = arith.addf %scan3A_256, %convert_element_type3A_266 : vector<16xf32>
      scf.yield %add3A_267 : vector<16xf32>
    }
    %scan3A_45 = arith.constant 208 : i32
    %scan3A_46 = arith.constant 0 : i32
    %scan3A_47 = arith.constant 208 : i32
    %scan3A_48 = arith.addi %scan3A_46, %scan3A_47 : i32
    %scan3A_49 = arith.constant 1 : i32
    %scan3A_50 = scf.for %scan3A_255 = %scan3A_46 to %scan3A_48 step %scan3A_49 iter_args(%scan3A_256 = %broadcast_in_dim3A_10) -> (vector<16xf32>)  : i32 {
      %mul3A_257 = arith.constant 128 : i32
      %mul3A_258 = arith.muli %scan3A_255, %mul3A_257 : i32
      %add3A_259 = arith.constant 96 : i32
      %add3A_260 = arith.addi %mul3A_258, %add3A_259 : i32
      %get3A_261 = arith.index_cast %add3A_260 : i32 to index
      %get3A_262 = tpu.vector_load %arg6[%get3A_261] {strides = array<i32>} : memref<26624xi32, #tpu.memory_space<vmem>>, vector<16xi32>,
      %get3A_263 = vector.shape_cast %get3A_262 : vector<16xi32> to vector<16xi32>
      %min3A = arith.constant 1 : i32
      %min3A_264 = vector.broadcast %min3A : i32 to vector<16xi32>
      %min3A_265 = arith.minsi %get3A_263, %min3A_264 : vector<16xi32>
      %convert_element_type3A_266 = arith.sitofp %min3A_265 : vector<16xi32> to vector<16xf32>
      %add3A_267 = arith.addf %scan3A_256, %convert_element_type3A_266 : vector<16xf32>
      scf.yield %add3A_267 : vector<16xf32>
    }
    %scan3A_51 = arith.constant 208 : i32
    %scan3A_52 = arith.constant 0 : i32
    %scan3A_53 = arith.constant 208 : i32
    %scan3A_54 = arith.addi %scan3A_52, %scan3A_53 : i32
    %scan3A_55 = arith.constant 1 : i32
    %scan3A_56 = scf.for %scan3A_255 = %scan3A_52 to %scan3A_54 step %scan3A_55 iter_args(%scan3A_256 = %broadcast_in_dim3A_10) -> (vector<16xf32>)  : i32 {
      %mul3A_257 = arith.constant 128 : i32
      %mul3A_258 = arith.muli %scan3A_255, %mul3A_257 : i32
      %add3A_259 = arith.constant 112 : i32
      %add3A_260 = arith.addi %mul3A_258, %add3A_259 : i32
      %get3A_261 = arith.index_cast %add3A_260 : i32 to index
      %get3A_262 = tpu.vector_load %arg6[%get3A_261] {strides = array<i32>} : memref<26624xi32, #tpu.memory_space<vmem>>, vector<16xi32>,
      %get3A_263 = vector.shape_cast %get3A_262 : vector<16xi32> to vector<16xi32>
      %min3A = arith.constant 1 : i32
      %min3A_264 = vector.broadcast %min3A : i32 to vector<16xi32>
      %min3A_265 = arith.minsi %get3A_263, %min3A_264 : vector<16xi32>
      %convert_element_type3A_266 = arith.sitofp %min3A_265 : vector<16xi32> to vector<16xf32>
      %add3A_267 = arith.addf %scan3A_256, %convert_element_type3A_266 : vector<16xf32>
      scf.yield %add3A_267 : vector<16xf32>
    }
    %scan3A_57 = arith.constant 208 : i32
    %dma_wait3A = arith.constant 0 : i32
    %dma_wait3A_58 = tpu.memref_slice %arg10[%dma_wait3A] : memref<1000000xf32, #tpu.memory_space<vmem_shared>> -> memref<1000000xf32, #tpu.memory_space<vmem_shared>>
    tpu.wait_indirect_dma semaphore(%arg11 : memref<!tpu.dma_semaphore, #tpu.memory_space<semaphore_mem>>) src(%dma_wait3A_58 : memref<1000000xf32, #tpu.memory_space<vmem_shared>>) dst(%arg7 : memref<26624xf32, #tpu.memory_space<vmem>>)
    %scan3A_59 = arith.constant 0 : i32
    %scan3A_60 = arith.constant 208 : i32
    %scan3A_61 = arith.addi %scan3A_59, %scan3A_60 : i32
    %scan3A_62 = arith.constant 1 : i32
    %scan3A_63 = scf.for %scan3A_255 = %scan3A_59 to %scan3A_61 step %scan3A_62 iter_args(%scan3A_256 = %broadcast_in_dim3A_10) -> (vector<16xf32>)  : i32 {
      %mul3A_257 = arith.constant 128 : i32
      %mul3A_258 = arith.muli %scan3A_255, %mul3A_257 : i32
      %add3A_259 = arith.constant 0 : i32
      %add3A_260 = arith.addi %mul3A_258, %add3A_259 : i32
      %get3A_261 = arith.index_cast %add3A_260 : i32 to index
      %get3A_262 = tpu.vector_load %arg7[%get3A_261] {strides = array<i32>} : memref<26624xf32, #tpu.memory_space<vmem>>, vector<16xf32>,
      %get3A_263 = vector.shape_cast %get3A_262 : vector<16xf32> to vector<16xf32>
      %add3A_264 = arith.addf %scan3A_256, %get3A_263 : vector<16xf32>
      scf.yield %add3A_264 : vector<16xf32>
    }
    %scan3A_64 = arith.constant 208 : i32
    %add3A_65 = arith.constant 9.99999993E-9 : f32
    %add3A_66 = vector.broadcast %add3A_65 : f32 to vector<16xf32>
    %add3A_67 = arith.addf %scan3A_14, %add3A_66 : vector<16xf32>
    %div3A = arith.divf %scan3A_63, %add3A_67 : vector<16xf32>
    %add3A_68 = arith.addf %div3A, %get3A_6 : vector<16xf32>
    %neg3A = arith.constant 0.000000e+00 : f32
    %neg3A_69 = vector.broadcast %neg3A : f32 to vector<16xf32>
    %neg3A_70 = arith.subf %neg3A_69, %add3A_68 : vector<16xf32>
    %exp3A = math.exp %neg3A_70 : vector<16xf32>
    %add3A_71 = arith.constant 1.000000e+00 : f32
    %add3A_72 = vector.broadcast %add3A_71 : f32 to vector<16xf32>
    %add3A_73 = arith.addf %add3A_72, %exp3A : vector<16xf32>
    %div3A_74 = arith.constant 1.000000e+00 : f32
    %div3A_75 = vector.broadcast %div3A_74 : f32 to vector<16xf32>
    %div3A_76 = arith.divf %div3A_75, %add3A_73 : vector<16xf32>
    %swap3A = arith.constant 0 : index
    %swap3A_77 = tpu.vector_load %arg8[%swap3A] {strides = array<i32>} : memref<128xf32, #tpu.memory_space<vmem>>, vector<16xf32>,
    %swap3A_78 = vector.shape_cast %swap3A_77 : vector<16xf32> to vector<16xf32>
    %swap3A_79 = vector.shape_cast %div3A_76 : vector<16xf32> to vector<16xf32>
    tpu.vector_store %arg8[%swap3A], %swap3A_79 {strides = array<i32>} : memref<128xf32, #tpu.memory_space<vmem>>, vector<16xf32>,
    %scan3A_80 = arith.constant 0 : i32
    %scan3A_81 = arith.constant 208 : i32
    %scan3A_82 = arith.addi %scan3A_80, %scan3A_81 : i32
    %scan3A_83 = arith.constant 1 : i32
    %scan3A_84 = scf.for %scan3A_255 = %scan3A_80 to %scan3A_82 step %scan3A_83 iter_args(%scan3A_256 = %broadcast_in_dim3A_10) -> (vector<16xf32>)  : i32 {
      %mul3A_257 = arith.constant 128 : i32
      %mul3A_258 = arith.muli %scan3A_255, %mul3A_257 : i32
      %add3A_259 = arith.constant 16 : i32
      %add3A_260 = arith.addi %mul3A_258, %add3A_259 : i32
      %get3A_261 = arith.index_cast %add3A_260 : i32 to index
      %get3A_262 = tpu.vector_load %arg7[%get3A_261] {strides = array<i32>} : memref<26624xf32, #tpu.memory_space<vmem>>, vector<16xf32>,
      %get3A_263 = vector.shape_cast %get3A_262 : vector<16xf32> to vector<16xf32>
      %add3A_264 = arith.addf %scan3A_256, %get3A_263 : vector<16xf32>
      scf.yield %add3A_264 : vector<16xf32>
    }
    %scan3A_85 = arith.constant 208 : i32
    %add3A_86 = arith.constant 9.99999993E-9 : f32
    %add3A_87 = vector.broadcast %add3A_86 : f32 to vector<16xf32>
    %add3A_88 = arith.addf %scan3A_20, %add3A_87 : vector<16xf32>
    %div3A_89 = arith.divf %scan3A_84, %add3A_88 : vector<16xf32>
    %add3A_90 = arith.addf %div3A_89, %get3A_6 : vector<16xf32>
    %neg3A_91 = arith.constant 0.000000e+00 : f32
    %neg3A_92 = vector.broadcast %neg3A_91 : f32 to vector<16xf32>
    %neg3A_93 = arith.subf %neg3A_92, %add3A_90 : vector<16xf32>
    %exp3A_94 = math.exp %neg3A_93 : vector<16xf32>
    %add3A_95 = arith.constant 1.000000e+00 : f32
    %add3A_96 = vector.broadcast %add3A_95 : f32 to vector<16xf32>
    %add3A_97 = arith.addf %add3A_96, %exp3A_94 : vector<16xf32>
    %div3A_98 = arith.constant 1.000000e+00 : f32
    %div3A_99 = vector.broadcast %div3A_98 : f32 to vector<16xf32>
    %div3A_100 = arith.divf %div3A_99, %add3A_97 : vector<16xf32>
    %swap3A_101 = arith.constant 16 : index
    %swap3A_102 = tpu.vector_load %arg8[%swap3A_101] {strides = array<i32>} : memref<128xf32, #tpu.memory_space<vmem>>, vector<16xf32>,
    %swap3A_103 = vector.shape_cast %swap3A_102 : vector<16xf32> to vector<16xf32>
    %swap3A_104 = vector.shape_cast %div3A_100 : vector<16xf32> to vector<16xf32>
    tpu.vector_store %arg8[%swap3A_101], %swap3A_104 {strides = array<i32>} : memref<128xf32, #tpu.memory_space<vmem>>, vector<16xf32>,
    %scan3A_105 = arith.constant 0 : i32
    %scan3A_106 = arith.constant 208 : i32
    %scan3A_107 = arith.addi %scan3A_105, %scan3A_106 : i32
    %scan3A_108 = arith.constant 1 : i32
    %scan3A_109 = scf.for %scan3A_255 = %scan3A_105 to %scan3A_107 step %scan3A_108 iter_args(%scan3A_256 = %broadcast_in_dim3A_10) -> (vector<16xf32>)  : i32 {
      %mul3A_257 = arith.constant 128 : i32
      %mul3A_258 = arith.muli %scan3A_255, %mul3A_257 : i32
      %add3A_259 = arith.constant 32 : i32
      %add3A_260 = arith.addi %mul3A_258, %add3A_259 : i32
      %get3A_261 = arith.index_cast %add3A_260 : i32 to index
      %get3A_262 = tpu.vector_load %arg7[%get3A_261] {strides = array<i32>} : memref<26624xf32, #tpu.memory_space<vmem>>, vector<16xf32>,
      %get3A_263 = vector.shape_cast %get3A_262 : vector<16xf32> to vector<16xf32>
      %add3A_264 = arith.addf %scan3A_256, %get3A_263 : vector<16xf32>
      scf.yield %add3A_264 : vector<16xf32>
    }
    %scan3A_110 = arith.constant 208 : i32
    %add3A_111 = arith.constant 9.99999993E-9 : f32
    %add3A_112 = vector.broadcast %add3A_111 : f32 to vector<16xf32>
    %add3A_113 = arith.addf %scan3A_26, %add3A_112 : vector<16xf32>
    %div3A_114 = arith.divf %scan3A_109, %add3A_113 : vector<16xf32>
    %add3A_115 = arith.addf %div3A_114, %get3A_6 : vector<16xf32>
    %neg3A_116 = arith.constant 0.000000e+00 : f32
    %neg3A_117 = vector.broadcast %neg3A_116 : f32 to vector<16xf32>
    %neg3A_118 = arith.subf %neg3A_117, %add3A_115 : vector<16xf32>
    %exp3A_119 = math.exp %neg3A_118 : vector<16xf32>
    %add3A_120 = arith.constant 1.000000e+00 : f32
    %add3A_121 = vector.broadcast %add3A_120 : f32 to vector<16xf32>
    %add3A_122 = arith.addf %add3A_121, %exp3A_119 : vector<16xf32>
    %div3A_123 = arith.constant 1.000000e+00 : f32
    %div3A_124 = vector.broadcast %div3A_123 : f32 to vector<16xf32>
    %div3A_125 = arith.divf %div3A_124, %add3A_122 : vector<16xf32>
    %swap3A_126 = arith.constant 32 : index
    %swap3A_127 = tpu.vector_load %arg8[%swap3A_126] {strides = array<i32>} : memref<128xf32, #tpu.memory_space<vmem>>, vector<16xf32>,
    %swap3A_128 = vector.shape_cast %swap3A_127 : vector<16xf32> to vector<16xf32>
    %swap3A_129 = vector.shape_cast %div3A_125 : vector<16xf32> to vector<16xf32>
    tpu.vector_store %arg8[%swap3A_126], %swap3A_129 {strides = array<i32>} : memref<128xf32, #tpu.memory_space<vmem>>, vector<16xf32>,
    %scan3A_130 = arith.constant 0 : i32
    %scan3A_131 = arith.constant 208 : i32
    %scan3A_132 = arith.addi %scan3A_130, %scan3A_131 : i32
    %scan3A_133 = arith.constant 1 : i32
    %scan3A_134 = scf.for %scan3A_255 = %scan3A_130 to %scan3A_132 step %scan3A_133 iter_args(%scan3A_256 = %broadcast_in_dim3A_10) -> (vector<16xf32>)  : i32 {
      %mul3A_257 = arith.constant 128 : i32
      %mul3A_258 = arith.muli %scan3A_255, %mul3A_257 : i32
      %add3A_259 = arith.constant 48 : i32
      %add3A_260 = arith.addi %mul3A_258, %add3A_259 : i32
      %get3A_261 = arith.index_cast %add3A_260 : i32 to index
      %get3A_262 = tpu.vector_load %arg7[%get3A_261] {strides = array<i32>} : memref<26624xf32, #tpu.memory_space<vmem>>, vector<16xf32>,
      %get3A_263 = vector.shape_cast %get3A_262 : vector<16xf32> to vector<16xf32>
      %add3A_264 = arith.addf %scan3A_256, %get3A_263 : vector<16xf32>
      scf.yield %add3A_264 : vector<16xf32>
    }
    %scan3A_135 = arith.constant 208 : i32
    %add3A_136 = arith.constant 9.99999993E-9 : f32
    %add3A_137 = vector.broadcast %add3A_136 : f32 to vector<16xf32>
    %add3A_138 = arith.addf %scan3A_32, %add3A_137 : vector<16xf32>
    %div3A_139 = arith.divf %scan3A_134, %add3A_138 : vector<16xf32>
    %add3A_140 = arith.addf %div3A_139, %get3A_6 : vector<16xf32>
    %neg3A_141 = arith.constant 0.000000e+00 : f32
    %neg3A_142 = vector.broadcast %neg3A_141 : f32 to vector<16xf32>
    %neg3A_143 = arith.subf %neg3A_142, %add3A_140 : vector<16xf32>
    %exp3A_144 = math.exp %neg3A_143 : vector<16xf32>
    %add3A_145 = arith.constant 1.000000e+00 : f32
    %add3A_146 = vector.broadcast %add3A_145 : f32 to vector<16xf32>
    %add3A_147 = arith.addf %add3A_146, %exp3A_144 : vector<16xf32>
    %div3A_148 = arith.constant 1.000000e+00 : f32
    %div3A_149 = vector.broadcast %div3A_148 : f32 to vector<16xf32>
    %div3A_150 = arith.divf %div3A_149, %add3A_147 : vector<16xf32>
    %swap3A_151 = arith.constant 48 : index
    %swap3A_152 = tpu.vector_load %arg8[%swap3A_151] {strides = array<i32>} : memref<128xf32, #tpu.memory_space<vmem>>, vector<16xf32>,
    %swap3A_153 = vector.shape_cast %swap3A_152 : vector<16xf32> to vector<16xf32>
    %swap3A_154 = vector.shape_cast %div3A_150 : vector<16xf32> to vector<16xf32>
    tpu.vector_store %arg8[%swap3A_151], %swap3A_154 {strides = array<i32>} : memref<128xf32, #tpu.memory_space<vmem>>, vector<16xf32>,
    %scan3A_155 = arith.constant 0 : i32
    %scan3A_156 = arith.constant 208 : i32
    %scan3A_157 = arith.addi %scan3A_155, %scan3A_156 : i32
    %scan3A_158 = arith.constant 1 : i32
    %scan3A_159 = scf.for %scan3A_255 = %scan3A_155 to %scan3A_157 step %scan3A_158 iter_args(%scan3A_256 = %broadcast_in_dim3A_10) -> (vector<16xf32>)  : i32 {
      %mul3A_257 = arith.constant 128 : i32
      %mul3A_258 = arith.muli %scan3A_255, %mul3A_257 : i32
      %add3A_259 = arith.constant 64 : i32
      %add3A_260 = arith.addi %mul3A_258, %add3A_259 : i32
      %get3A_261 = arith.index_cast %add3A_260 : i32 to index
      %get3A_262 = tpu.vector_load %arg7[%get3A_261] {strides = array<i32>} : memref<26624xf32, #tpu.memory_space<vmem>>, vector<16xf32>,
      %get3A_263 = vector.shape_cast %get3A_262 : vector<16xf32> to vector<16xf32>
      %add3A_264 = arith.addf %scan3A_256, %get3A_263 : vector<16xf32>
      scf.yield %add3A_264 : vector<16xf32>
    }
    %scan3A_160 = arith.constant 208 : i32
    %add3A_161 = arith.constant 9.99999993E-9 : f32
    %add3A_162 = vector.broadcast %add3A_161 : f32 to vector<16xf32>
    %add3A_163 = arith.addf %scan3A_38, %add3A_162 : vector<16xf32>
    %div3A_164 = arith.divf %scan3A_159, %add3A_163 : vector<16xf32>
    %add3A_165 = arith.addf %div3A_164, %get3A_6 : vector<16xf32>
    %neg3A_166 = arith.constant 0.000000e+00 : f32
    %neg3A_167 = vector.broadcast %neg3A_166 : f32 to vector<16xf32>
    %neg3A_168 = arith.subf %neg3A_167, %add3A_165 : vector<16xf32>
    %exp3A_169 = math.exp %neg3A_168 : vector<16xf32>
    %add3A_170 = arith.constant 1.000000e+00 : f32
    %add3A_171 = vector.broadcast %add3A_170 : f32 to vector<16xf32>
    %add3A_172 = arith.addf %add3A_171, %exp3A_169 : vector<16xf32>
    %div3A_173 = arith.constant 1.000000e+00 : f32
    %div3A_174 = vector.broadcast %div3A_173 : f32 to vector<16xf32>
    %div3A_175 = arith.divf %div3A_174, %add3A_172 : vector<16xf32>
    %swap3A_176 = arith.constant 64 : index
    %swap3A_177 = tpu.vector_load %arg8[%swap3A_176] {strides = array<i32>} : memref<128xf32, #tpu.memory_space<vmem>>, vector<16xf32>,
    %swap3A_178 = vector.shape_cast %swap3A_177 : vector<16xf32> to vector<16xf32>
    %swap3A_179 = vector.shape_cast %div3A_175 : vector<16xf32> to vector<16xf32>
    tpu.vector_store %arg8[%swap3A_176], %swap3A_179 {strides = array<i32>} : memref<128xf32, #tpu.memory_space<vmem>>, vector<16xf32>,
    %scan3A_180 = arith.constant 0 : i32
    %scan3A_181 = arith.constant 208 : i32
    %scan3A_182 = arith.addi %scan3A_180, %scan3A_181 : i32
    %scan3A_183 = arith.constant 1 : i32
    %scan3A_184 = scf.for %scan3A_255 = %scan3A_180 to %scan3A_182 step %scan3A_183 iter_args(%scan3A_256 = %broadcast_in_dim3A_10) -> (vector<16xf32>)  : i32 {
      %mul3A_257 = arith.constant 128 : i32
      %mul3A_258 = arith.muli %scan3A_255, %mul3A_257 : i32
      %add3A_259 = arith.constant 80 : i32
      %add3A_260 = arith.addi %mul3A_258, %add3A_259 : i32
      %get3A_261 = arith.index_cast %add3A_260 : i32 to index
      %get3A_262 = tpu.vector_load %arg7[%get3A_261] {strides = array<i32>} : memref<26624xf32, #tpu.memory_space<vmem>>, vector<16xf32>,
      %get3A_263 = vector.shape_cast %get3A_262 : vector<16xf32> to vector<16xf32>
      %add3A_264 = arith.addf %scan3A_256, %get3A_263 : vector<16xf32>
      scf.yield %add3A_264 : vector<16xf32>
    }
    %scan3A_185 = arith.constant 208 : i32
    %add3A_186 = arith.constant 9.99999993E-9 : f32
    %add3A_187 = vector.broadcast %add3A_186 : f32 to vector<16xf32>
    %add3A_188 = arith.addf %scan3A_44, %add3A_187 : vector<16xf32>
    %div3A_189 = arith.divf %scan3A_184, %add3A_188 : vector<16xf32>
    %add3A_190 = arith.addf %div3A_189, %get3A_6 : vector<16xf32>
    %neg3A_191 = arith.constant 0.000000e+00 : f32
    %neg3A_192 = vector.broadcast %neg3A_191 : f32 to vector<16xf32>
    %neg3A_193 = arith.subf %neg3A_192, %add3A_190 : vector<16xf32>
    %exp3A_194 = math.exp %neg3A_193 : vector<16xf32>
    %add3A_195 = arith.constant 1.000000e+00 : f32
    %add3A_196 = vector.broadcast %add3A_195 : f32 to vector<16xf32>
    %add3A_197 = arith.addf %add3A_196, %exp3A_194 : vector<16xf32>
    %div3A_198 = arith.constant 1.000000e+00 : f32
    %div3A_199 = vector.broadcast %div3A_198 : f32 to vector<16xf32>
    %div3A_200 = arith.divf %div3A_199, %add3A_197 : vector<16xf32>
    %swap3A_201 = arith.constant 80 : index
    %swap3A_202 = tpu.vector_load %arg8[%swap3A_201] {strides = array<i32>} : memref<128xf32, #tpu.memory_space<vmem>>, vector<16xf32>,
    %swap3A_203 = vector.shape_cast %swap3A_202 : vector<16xf32> to vector<16xf32>
    %swap3A_204 = vector.shape_cast %div3A_200 : vector<16xf32> to vector<16xf32>
    tpu.vector_store %arg8[%swap3A_201], %swap3A_204 {strides = array<i32>} : memref<128xf32, #tpu.memory_space<vmem>>, vector<16xf32>,
    %scan3A_205 = arith.constant 0 : i32
    %scan3A_206 = arith.constant 208 : i32
    %scan3A_207 = arith.addi %scan3A_205, %scan3A_206 : i32
    %scan3A_208 = arith.constant 1 : i32
    %scan3A_209 = scf.for %scan3A_255 = %scan3A_205 to %scan3A_207 step %scan3A_208 iter_args(%scan3A_256 = %broadcast_in_dim3A_10) -> (vector<16xf32>)  : i32 {
      %mul3A_257 = arith.constant 128 : i32
      %mul3A_258 = arith.muli %scan3A_255, %mul3A_257 : i32
      %add3A_259 = arith.constant 96 : i32
      %add3A_260 = arith.addi %mul3A_258, %add3A_259 : i32
      %get3A_261 = arith.index_cast %add3A_260 : i32 to index
      %get3A_262 = tpu.vector_load %arg7[%get3A_261] {strides = array<i32>} : memref<26624xf32, #tpu.memory_space<vmem>>, vector<16xf32>,
      %get3A_263 = vector.shape_cast %get3A_262 : vector<16xf32> to vector<16xf32>
      %add3A_264 = arith.addf %scan3A_256, %get3A_263 : vector<16xf32>
      scf.yield %add3A_264 : vector<16xf32>
    }
    %scan3A_210 = arith.constant 208 : i32
    %add3A_211 = arith.constant 9.99999993E-9 : f32
    %add3A_212 = vector.broadcast %add3A_211 : f32 to vector<16xf32>
    %add3A_213 = arith.addf %scan3A_50, %add3A_212 : vector<16xf32>
    %div3A_214 = arith.divf %scan3A_209, %add3A_213 : vector<16xf32>
    %add3A_215 = arith.addf %div3A_214, %get3A_6 : vector<16xf32>
    %neg3A_216 = arith.constant 0.000000e+00 : f32
    %neg3A_217 = vector.broadcast %neg3A_216 : f32 to vector<16xf32>
    %neg3A_218 = arith.subf %neg3A_217, %add3A_215 : vector<16xf32>
    %exp3A_219 = math.exp %neg3A_218 : vector<16xf32>
    %add3A_220 = arith.constant 1.000000e+00 : f32
    %add3A_221 = vector.broadcast %add3A_220 : f32 to vector<16xf32>
    %add3A_222 = arith.addf %add3A_221, %exp3A_219 : vector<16xf32>
    %div3A_223 = arith.constant 1.000000e+00 : f32
    %div3A_224 = vector.broadcast %div3A_223 : f32 to vector<16xf32>
    %div3A_225 = arith.divf %div3A_224, %add3A_222 : vector<16xf32>
    %swap3A_226 = arith.constant 96 : index
    %swap3A_227 = tpu.vector_load %arg8[%swap3A_226] {strides = array<i32>} : memref<128xf32, #tpu.memory_space<vmem>>, vector<16xf32>,
    %swap3A_228 = vector.shape_cast %swap3A_227 : vector<16xf32> to vector<16xf32>
    %swap3A_229 = vector.shape_cast %div3A_225 : vector<16xf32> to vector<16xf32>
    tpu.vector_store %arg8[%swap3A_226], %swap3A_229 {strides = array<i32>} : memref<128xf32, #tpu.memory_space<vmem>>, vector<16xf32>,
    %scan3A_230 = arith.constant 0 : i32
    %scan3A_231 = arith.constant 208 : i32
    %scan3A_232 = arith.addi %scan3A_230, %scan3A_231 : i32
    %scan3A_233 = arith.constant 1 : i32
    %scan3A_234 = scf.for %scan3A_255 = %scan3A_230 to %scan3A_232 step %scan3A_233 iter_args(%scan3A_256 = %broadcast_in_dim3A_10) -> (vector<16xf32>)  : i32 {
      %mul3A_257 = arith.constant 128 : i32
      %mul3A_258 = arith.muli %scan3A_255, %mul3A_257 : i32
      %add3A_259 = arith.constant 112 : i32
      %add3A_260 = arith.addi %mul3A_258, %add3A_259 : i32
      %get3A_261 = arith.index_cast %add3A_260 : i32 to index
      %get3A_262 = tpu.vector_load %arg7[%get3A_261] {strides = array<i32>} : memref<26624xf32, #tpu.memory_space<vmem>>, vector<16xf32>,
      %get3A_263 = vector.shape_cast %get3A_262 : vector<16xf32> to vector<16xf32>
      %add3A_264 = arith.addf %scan3A_256, %get3A_263 : vector<16xf32>
      scf.yield %add3A_264 : vector<16xf32>
    }
    %scan3A_235 = arith.constant 208 : i32
    %add3A_236 = arith.constant 9.99999993E-9 : f32
    %add3A_237 = vector.broadcast %add3A_236 : f32 to vector<16xf32>
    %add3A_238 = arith.addf %scan3A_56, %add3A_237 : vector<16xf32>
    %div3A_239 = arith.divf %scan3A_234, %add3A_238 : vector<16xf32>
    %add3A_240 = arith.addf %div3A_239, %get3A_6 : vector<16xf32>
    %neg3A_241 = arith.constant 0.000000e+00 : f32
    %neg3A_242 = vector.broadcast %neg3A_241 : f32 to vector<16xf32>
    %neg3A_243 = arith.subf %neg3A_242, %add3A_240 : vector<16xf32>
    %exp3A_244 = math.exp %neg3A_243 : vector<16xf32>
    %add3A_245 = arith.constant 1.000000e+00 : f32
    %add3A_246 = vector.broadcast %add3A_245 : f32 to vector<16xf32>
    %add3A_247 = arith.addf %add3A_246, %exp3A_244 : vector<16xf32>
    %div3A_248 = arith.constant 1.000000e+00 : f32
    %div3A_249 = vector.broadcast %div3A_248 : f32 to vector<16xf32>
    %div3A_250 = arith.divf %div3A_249, %add3A_247 : vector<16xf32>
    %swap3A_251 = arith.constant 112 : index
    %swap3A_252 = tpu.vector_load %arg8[%swap3A_251] {strides = array<i32>} : memref<128xf32, #tpu.memory_space<vmem>>, vector<16xf32>,
    %swap3A_253 = vector.shape_cast %swap3A_252 : vector<16xf32> to vector<16xf32>
    %swap3A_254 = vector.shape_cast %div3A_250 : vector<16xf32> to vector<16xf32>
    tpu.vector_store %arg8[%swap3A_251], %swap3A_254 {strides = array<i32>} : memref<128xf32, #tpu.memory_space<vmem>>, vector<16xf32>,
    "tpu.region"() ({
      %run_scoped3A = tpu.sem_alloc : memref<!tpu.dma_semaphore, #tpu.memory_space<semaphore_mem>>
      %dma_start3A_255 = tpu.memref_slice %arg5[%mul3A_2] : memref<4096xf32, #tpu.memory_space<hbm>> -> memref<128xf32, #tpu.memory_space<hbm>>
      %dma_start3A_256 = tpu.memref_slice %arg5[%mul3A_2] : memref<4096xf32, #tpu.memory_space<hbm>> -> memref<128xf32, #tpu.memory_space<hbm>>
      tpu.enqueue_dma source(%arg8 : memref<128xf32, #tpu.memory_space<vmem>>) target(%dma_start3A_256 : memref<128xf32, #tpu.memory_space<hbm>>) target_semaphore(%run_scoped3A : memref<!tpu.dma_semaphore, #tpu.memory_space<semaphore_mem>>)
      %dma_wait3A_257 = tpu.memref_slice %arg5[%mul3A_2] : memref<4096xf32, #tpu.memory_space<hbm>> -> memref<128xf32, #tpu.memory_space<hbm>>
      %dma_wait3A_258 = tpu.memref_slice %arg5[%mul3A_2] : memref<4096xf32, #tpu.memory_space<hbm>> -> memref<128xf32, #tpu.memory_space<hbm>>
      tpu.wait_dma2 semaphore(%run_scoped3A : memref<!tpu.dma_semaphore, #tpu.memory_space<semaphore_mem>>) src(%arg8 : memref<128xf32, #tpu.memory_space<vmem>>) dst(%dma_wait3A_258 : memref<128xf32, #tpu.memory_space<hbm>>)
      tpu.yield
    }) : () -> ()
    return
  }
}

module attributes {stable_mosaic.version = 14 : i64} {
  func.func @_tw_body(%arg0: i32, %arg1: memref<64x16384xf32, #tpu.memory_space<vmem>>, %arg2: memref<1x64xf32, #tpu.memory_space<vmem>>, %arg3: memref<16384xf32, #tpu.memory_space<vmem>>) attributes {dimension_semantics = [#tpu.dimension_semantics<arbitrary>], iteration_bounds = array<i64: 62>, scalar_prefetch = 0 : i64, scratch_operands = 0 : i64, tpu.core_type = #tpu.core_type<tc>, window_params = [{transform_indices = @transform_0, window_bounds = array<i64: 64, 16384>}, {pipeline_mode = #tpu.pipeline_mode<synchronous>, transform_indices = @transform_1, window_bounds = array<i64: 1, 64>}, {transform_indices = @transform_2, window_bounds = array<i64: 16384>}]} {
    %get3A = arith.constant 0 : index
    %get3A_0 = arith.constant 0 : index
    %get3A_1 = vector.load %arg2[%get3A, %get3A_0] : memref<1x64xf32, #tpu.memory_space<vmem>>, vector<1x64xf32>
    %get3A_2 = arith.constant 0 : index
    %get3A_3 = arith.constant 0 : index
    %get3A_4 = vector.load %arg1[%get3A_2, %get3A_3] : memref<64x16384xf32, #tpu.memory_space<vmem>>, vector<64x16384xf32>
    %dot_general3A = arith.constant dense<0.000000e+00> : vector<1x16384xf32>
    %dot_general3A_5 = tpu.matmul %get3A_1, %get3A_4, %dot_general3A {dimension_numbers = #tpu.dot_dimension_numbers<[1], [0], [0], [1], [0, 0, 1, 1], [], []>, transpose_lhs_hint = false} : vector<1x64xf32>, vector<64x16384xf32>, vector<1x16384xf32> -> vector<1x16384xf32>
    %squeeze3A = vector.shape_cast %dot_general3A_5 : vector<1x16384xf32> to vector<16384xf32>
    %swap3A = arith.constant 0 : index
    %swap3A_6 = vector.load %arg3[%swap3A] : memref<16384xf32, #tpu.memory_space<vmem>>, vector<16384xf32>
    tpu.vector_store %arg3[%swap3A], %squeeze3A {strides = array<i32>} : memref<16384xf32, #tpu.memory_space<vmem>>, vector<16384xf32>,
    return
  }
  func.func @transform_0(%arg0: i32) -> (i32, i32) {
    %c0_i32 = arith.constant 0 : i32
    %c0_i32_0 = arith.constant 0 : i32
    return %c0_i32, %arg0 : i32, i32
  }
  func.func @transform_1(%arg0: i32) -> (i32, i32) {
    %c0_i32 = arith.constant 0 : i32
    %c0_i32_0 = arith.constant 0 : i32
    %c0_i32_1 = arith.constant 0 : i32
    return %c0_i32, %c0_i32_0 : i32, i32
  }
  func.func @transform_2(%arg0: i32) -> i32 {
    %c0_i32 = arith.constant 0 : i32
    return %arg0 : i32
  }
}

</mosaic_0001>

<sc_bundles>
// kernel: kernel.4.cloned.1.call-start
scs
__scs_entry_jumppad:
0x0: {  	(pc) =	sbr.rel $0x88, $3  }
0x1: {  	(tag) =	ssettag $0x0;
	lr =	simm.s32 $0x1  }
0x2: {  	[smem:$0x3F9D] =	sst lr;
	_ =	strace $0xD0000000  }
0x3: {  	_ = 	snop  }
0x4: {  	_ = 	snop  }
0x5: {  	_ = 	snop  }
0x6: {  	_ = 	snop  }
0x7: {  	_ = 	snop  }
__scs_overlays_trampoline_lowered:
0x8: {  	[smem:$0x3FAC] =	sst s0  }
0x9: {  	[smem:$0x3FAD] =	sst s1  }
0xa: {  	[smem:$0x3FAE] =	sst s2  }
0xb: {  	[smem:$0x3FAF] =	sst s3  }
0xc: {  	[smem:$0x3FB0] =	sst s4  }
0xd: {  	[smem:$0x3FB1] =	sst s5  }
0xe: {  	[smem:$0x3FB2] =	sst s6  }
0xf: {  	[smem:$0x3FB3] =	sst s7  }
0x10: {  	[smem:$0x3FB4] =	sst s8  }
0x11: {  	[smem:$0x3FB5] =	sst s9;
	s0 =	simm.s32 @!p0 $0x0  }
0x12: {  	s1 =	sld [smem:$0x3F9B];
	s0 =	simm.s32 @p0 $0x1  }
0x13: {  	[smem:$0x3FB6] =	sst s0;
	s0 =	simm.s32 @!p1 $0x0  }
0x14: {  	s2 =	sld [smem:$0x3F9A];
	s0 =	simm.s32 @p1 $0x1  }
0x15: {  	[smem:$0x3FB7] =	sst s0;
	s0 =	simm.s32 @!p2 $0x0  }
0x16: {  	s3 =	sld [smem:$0x3FDB];
	s0 =	simm.s32 @p2 $0x1  }
0x17: {  	s4 =	simm.s32 $0x1BF5;
	[smem:$0x3FB9] =	sst s0  }
0x18: {  	s0 =	sld [smem:$0x3F9C];
	_ =	swait.ge [sflag:s4], $0x0  }
0x19: {  	s7 =	sld [smem:$0x3F9D]  }
0x1a: {  	s8 =	sadd.s32 $0xFFFFE003, lr  }
0x1b: {  	s9 =	sadd.s32 $0xFFFFFEF7, lr;
	s5 =	simm.s32 $0xFFFFFFFF;
	p2 =	slt.u32 s8, $0xFFFFF086  }
0x1c: {  	p1 =	slt.u32 s9, $0xF7A;
	s5 =	simm.s32 @!p2 $0x0  }
0x1d: {  	s5 =	simm.s32 @p1 $0x1;
	p0 =	seq.s32 s7, s2  }
0x1e: {  	s7 =	smul.u32 @!p0 $0xF7A, s2;
	p2 =	seq.s32 @!p0 s5, $0x0  }
0x1f: {  	s9 =	smul.u32 $0xF7A, s1;
	s8 =	simm.s32 @!p0 $0x1BF5;
	p2 =	por !p2, p0  }
0x20: {  	[sflag:s8] =	ssyncset.s32 @!p0 $0xFFFFF086;
	s6 =	sadd.s32 @!p0 s3, s7;
	s7 =	simm.s32 @!p0 $0x108  }
0x21: {  	s3 =	sadd.s32 s3, s9;
	s6 =	sadd.s32 @!p0 $0x88, s6;
	s7 =	simm.s32 @p2 $0x1082  }
0x22: {  	[simem:s7], [sflag:s8] =	dma.local @!p0 [hbm:s6], $0xF7A  }
0x23: {  	s9 =	sor.u32 $0xD0000000, s2;
	s6 =	simm.s32 $0x108;
	_ =	swait.ge @!p0 [sflag:s8], $0x0  }
0x24: {  	s3 =	sadd.s32 $0x88, s3;
	s6 =	simm.s32 @!p1 $0x1082;
	[sflag:s4] =	ssyncset.s32 $0xFFFFF086  }
0x25: {  	[simem:s6], [sflag:s4] =	dma.local [hbm:s3], $0xF7A  }
0x26: {  	[smem:$0x3F9D] =	sst s1;
	(tag) =	ssettag s2;
	_ =	strace s9  }
0x27: {  	s1 =	sld [smem:$0x3FAD]  }
0x28: {  	s2 =	sld [smem:$0x3FAE]  }
0x29: {  	s4 =	sld [smem:$0x3FB0]  }
0x2a: {  	p0 =	seq.s32 s5, $0x0;
	s5 =	sld [smem:$0x3FB1]  }
0x2b: {  	s6 =	sld [smem:$0x3FB2]  }
0x2c: {  	s7 =	sld [smem:$0x3FB3]  }
0x2d: {  	s3 =	simm.s32 $0x108;
	s8 =	sld [smem:$0x3FB4]  }
0x2e: {  	s3 =	simm.s32 @!p0 $0x1082;
	s9 =	sld [smem:$0x3FB5]  }
0x2f: {  	lr =	sadd.s32 s0, s3;
	s0 =	sld [smem:$0x3FAC]  }
0x30: {  	s3 =	sld [smem:$0x3FAF]  }
0x31: {  	[smem:$0x3FB8] =	sst s10  }
0x32: {  	s10 =	sld [smem:$0x3FB6];
	_ =	sdelay $0x3  }
0x33: {  	p0 =	seq.s32 s10, $0x1;
	s10 =	sld [smem:$0x3FB8];
	_ =	sdelay $0x3  }
0x34: {  	[smem:$0x3FB8] =	sst s10  }
0x35: {  	s10 =	sld [smem:$0x3FB7];
	_ =	sdelay $0x3  }
0x36: {  	p1 =	seq.s32 s10, $0x1;
	s10 =	sld [smem:$0x3FB8];
	_ =	sdelay $0x3  }
0x37: {  	[smem:$0x3FB8] =	sst s10  }
0x38: {  	s10 =	sld [smem:$0x3FB9]  }
0x39: {  	_ = 	snop;
	(pc) =	sbr.ind lr, $3  }
0x3a: {  	_ = 	snop  }
0x3b: {  	_ = 	snop  }
0x3c: {  	p2 =	seq.s32 s10, $0x1;
	s10 =	sld [smem:$0x3FB8]  }
0x3d: {  	_ =	shalt  }
0x3e: {  	_ =	shalt  }
0x3f: {  	_ =	shalt  }
0x40: {  	_ =	shalt  }
0x41: {  	_ =	shalt  }
0x42: {  	_ =	shalt  }
0x43: {  	_ =	shalt  }
0x44: {  	_ =	shalt  }
0x45: {  	_ =	shalt  }
0x46: {  	_ =	shalt  }
0x47: {  	_ =	shalt  }
0x48: {  	_ =	shalt  }
0x49: {  	_ =	shalt  }
0x4a: {  	_ =	shalt  }
0x4b: {  	_ =	shalt  }
0x4c: {  	_ =	shalt  }
0x4d: {  	_ =	shalt  }
0x4e: {  	_ =	shalt  }
0x4f: {  	_ =	shalt  }
0x50: {  	_ =	shalt  }
0x51: {  	_ =	shalt  }
0x52: {  	_ =	shalt  }
0x53: {  	_ =	shalt  }
0x54: {  	_ =	shalt  }
0x55: {  	_ =	shalt  }
0x56: {  	_ =	shalt  }
0x57: {  	_ =	shalt  }
0x58: {  	_ =	shalt  }
0x59: {  	_ =	shalt  }
0x5a: {  	_ =	shalt  }
0x5b: {  	_ =	shalt  }
0x5c: {  	_ =	shalt  }
0x5d: {  	_ =	shalt  }
0x5e: {  	_ =	shalt  }
0x5f: {  	_ =	shalt  }
0x60: {  	_ =	shalt  }
0x61: {  	_ =	shalt  }
0x62: {  	_ =	shalt  }
0x63: {  	_ =	shalt  }
0x64: {  	_ =	shalt  }
0x65: {  	_ =	shalt  }
0x66: {  	_ =	shalt  }
0x67: {  	_ =	shalt  }
0x68: {  	_ =	shalt  }
0x69: {  	_ =	shalt  }
0x6a: {  	_ =	shalt  }
0x6b: {  	_ =	shalt  }
0x6c: {  	_ =	shalt  }
0x6d: {  	_ =	shalt  }
0x6e: {  	_ =	shalt  }
0x6f: {  	_ =	shalt  }
0x70: {  	_ =	shalt  }
0x71: {  	_ =	shalt  }
0x72: {  	_ =	shalt  }
0x73: {  	_ =	shalt  }
0x74: {  	_ =	shalt  }
0x75: {  	_ =	shalt  }
0x76: {  	_ =	shalt  }
0x77: {  	_ =	shalt  }
0x78: {  	_ =	shalt  }
0x79: {  	_ =	shalt  }
0x7a: {  	_ =	shalt  }
0x7b: {  	_ =	shalt  }
0x7c: {  	_ =	shalt  }
0x7d: {  	_ =	shalt  }
0x7e: {  	_ =	shalt  }
0x7f: {  	_ =	shalt  }
0x80: {  	_ =	shalt  }
0x81: {  	_ =	shalt  }
0x82: {  	_ =	shalt  }
0x83: {  	_ =	shalt  }
0x84: {  	_ =	shalt  }
0x85: {  	_ =	shalt  }
0x86: {  	_ =	shalt  }
0x87: {  	_ =	shalt  }
.Lfunc_end0:
.L_simem_size_0:
called_computation_lowered:
.L_overlay_start_0:
0x88: {  	s2 =	sld [smem:$0x3FD9]  }
0x89: {  	s3 =	sld [smem:$0x3FFE];
	_ =	sdelay $0x1  }
0x8a: {  	s1 =	srdreg.scid  }
0x8b: {  	s0 =	sand.u32 $0x1, s1  }
0x8c: {  	s17 =	sshll.u32 s0, $0xA;
	s2 =	sadd.s32 s3, s2  }
0x8d: {  	s2 =	sadd.s32 s2, s17  }
0x8e: {  	[smem:$0x3FC4] =	sst s2  }
0x8f: {  	_ = 	snop  }
0x90: {  	s2 =	sld [smem:$0x3FD0];
	(tm) =	ssettm $0x1  }
0x91: {  	s18 =	sld [smem:$0x3FFB];
	_ =	sdelay $0x3  }
0x92: {  	_ =	strace s18  }
0x93: {  	s3 =	sld [smem:$0x3FFC];
	_ =	sdelay $0x3  }
0x94: {  	_ =	strace s3  }
0x95: {  	s3 =	sld [smem:$0x3FFD];
	_ =	sdelay $0x3  }
0x96: {  	_ =	strace s3  }
0x97: {  	_ =	strace $0x8FFFFFFF  }
0x98: {  	s19 =	sld [smem:$0x3FDB];
	_ =	sdelay $0x1  }
0x99: {  	s4 =	simm.s32 $_scs_section_size  }
0x9a: {  	s5 =	simm.s32 $_size__tile_overlayer_lowered;
	s6 =	simm.s32 $_tile_overlayer_lowered  }
0x9b: {  	s22 =	simm.s32 $0x1BFF;
	s21 =	sshll.u32 s6, $0x1;
	s3 =	sadd.s32 s4, s19  }
0x9c: {  	s7 =	simm.s32 $0x0;
	s20 =	sshll.u32 s5, $0x1;
	s5 =	sadd.s32 s21, s3  }
0x9d: {  	[timem:s7], [sflag:s22] =	dma.local [hbm:s5], s20  }
0x9e: {  	_ =	swait.ge [sflag:s22], s20  }
0x9f: {  	s4 =	ssub.s32 $0x0, s20;
	[sflag:s22] =	ssyncset.done $0x0  }
0xa0: {  	[sflag:s22] =	ssyncadd.s32 s4;
	_ =	sdelay $0x1  }
0xa1: {  	s23 =	simm.s32 $0x1B8B  }
0xa2: {  	_ =	swait.ge [sflag:s23], $0x1  }
0xa3: {  	[sflag:s23] =	ssyncset.done $0x0  }
0xa4: {  	s25 =	simm.s32 $0x1B8E;
	s24 =	sld [smem:$0x3FFE];
	[sflag:s23] =	ssyncadd.s32 $0xFFFFFFFF  }
0xa5: {  	s26 =	simm.s32 $execute0_lowered;
	[smem:$0x3FD2] =	sst s25  }
0xa6: {  	s5 =	sshll.u32 s26, $0x1;
	_ =	strace $0x80000046;
	[dreg:$0x1] =	wrdreg $0xFFFFFFFF  }
0xa7: {  	s28 =	simm.s32 $_size_execute0_lowered;
	s3 =	sadd.s32 s3, s5;
	[dreg:$0x0] =	wrdreg $0x0  }
0xa8: {  	s5 =	sshll.u32 s28, $0x1;
	[dreg:$0x2] =	wrdreg s3  }
0xa9: {  	[dreg:$0x3] =	wrdreg s5  }
0xaa: {  	[dreg:$0x4] =	wrdreg $0xC0  }
0xab: {  	_ =	task [dreg:s7], $0x5FFFF  }
0xac: {  	[dreg:$0x1] =	wrdreg $0xFFFFFFFF  }
0xad: {  	[dreg:$0x0] =	wrdreg $0x60  }
0xae: {  	[dreg:$0x2] =	wrdreg s24  }
0xaf: {  	[dreg:$0x3] =	wrdreg s2  }
0xb0: {  	[dreg:$0x4] =	wrdreg $0xD1000  }
0xb1: {  	[dreg:$0x5] =	wrdreg $0x9  }
0xb2: {  	_ =	task.clear_ibuf [dreg:s7], $0x6FFFF;
	_ =	strace $0x90000046  }
0xb3: {  	s29 =	simm.s32 $0x9;
	_ =	strace $0x80000048  }
0xb4: {  	_ =	swait.ge [sflag:s29], $0x1  }
0xb5: {  	[sflag:s29] =	ssyncadd.s32 $0xFFFFFFFF  }
0xb6: {  	_ =	strace $0x90000048  }
0xb7: {  	_ =	sfence  }
0xb8: {  	s30 =	sld [smem:$0x0];
	_ =	sdelay $0x2  }
0xb9: {  	s31 =	sshll.u32 s1, $0xD;
	s1 =	sshrl.u32 s1, $0x2  }
0xba: {  	s3 =	sand.u32 $0x4000, s31;
	s1 =	sadd.s32 s1, s30  }
0xbb: {  	s0 =	sor.u32 s3, s0;
	s1 =	sshll.u32 s1, $0x11  }
0xbc: {  	s0 =	sor.u32 s1, s0  }
0xbd: {  	s0 =	sadd.s32 $0x8F2B, s0  }
0xbe: {  	[sflag:s0] =	ssyncadd.remote.s32 $0x1  }
0xbf: {  	_ =	sfence.sel $0xFFFF  }
0xc0: {  	[dreg:$0x0] =	wrdreg $0xFFFFFFFF;
	(pc) =	sbr.abs _section_cstart, $3  }
0xc1: {  	[dreg:$0x1] =	wrdreg $0xFFFFFFFF  }
0xc2: {  	_ =	task.clear_ibuf [dreg:s7], $0x2FFFF;
	_ =	strace $0x9FFFFFFF  }
0xc3: {  	(tm) =	ssettm $0x7FFFFFFF  }
tec
execute0_lowered:
.L_overlay_start_1:
0x0: {  	(tag) =	ssettag $0x1  }
0x1: {  	s4 =	rddreg [dreg:$0x0]  }
0x2: {  	s6 =	rddreg [dreg:$0x1]  }
0x3: {  	s0 =	srdreg.scid;
	s8 =	stileid.u32  }
0x4: {  	s1 =	rddreg [dreg:$0x2];
	s2 =	simm.s32 $0x0;
	s11 =	simm.s32 $0x6800  }
0x5: {  	s12 =	simm.s32 $0x1;
	s13 =	simm.s32 $0xD000;
	s14 =	simm.s32 $0x0  }
0x6: {  	s5 =	sand.u32 $0x1, s0;
	s3 =	sshll.u32 s8, $0x1;
	s0 =	rddreg [dreg:$0x3]  }
0x7: {  	[smem:$0x7FF] =	sst s2;
	p0 =	sne.s32 s8, $0x0;
	s8 =	simm.s32 $0x2  }
0x8: {  	s7 =	sor.u32 s5, s3;
	_ =	strace $0x80000047;
	s5 =	ssub.s32 $0x2, s5  }
0x9: {  	s9 =	smul.u32 $0xD00, s7;
	s10 =	sshrl.u32 s5, $0x1;
	s7 =	sshll.u32 s7, $0x4  }
0xa: {  	s3 =	sadd.s32 $0x1A800, s4;
	s10 =	ssub.s32 s5, s10;
	s6 =	sadd.s32 s6, s7  }
0xb: {  	s9 =	sadd.s32 s9, s4;
	s4 =	sadd.s32 $0x39200, s4;
	s7 =	smax.u32 s10, $0x1  }
0xc: {  	s10 =	sshrl.u32 @!p0 s1, $0x3;
	s5 =	sadd.s32 $0x800, s9;
	s9 =	simm.s32 $0xD080  }
.LBB2_1:
0xd: {  	[tilespmem:s2], [sflag:$0x2] =	stream.linear.gather [hbm4b:s5+s2], $0x6800, $0x38;
	[tilespmem:$0x1C528] =	vst v63  }
0xe: {  	_ =	swait.ge [sflag:s8], $0x6800  }
0xf: {  	[sflag:s8] =	ssyncset.done $0x0  }
0x10: {  	[sflag:s8] =	ssyncadd.s32 $0xFFFF9800  }
0x11: {  	[tilespmem:s9], [sflag:$0x2] =	stream.linear.gather [hbm4b:s4+s2], $0x80, $0x38;
	[tilespmem:$0x1C528] =	vst v63  }
0x12: {  	_ =	swait.ge [sflag:s8], $0x80  }
0x13: {  	[sflag:s8] =	ssyncset.done $0x0  }
0x14: {  	s15 =	simm.s32 @!p0 $0x1C02;
	[sflag:s8] =	ssyncadd.s32 $0xFFFFFF80  }
0x15: {  	v0 =	vld [tilespmem:$0xD080];
	[spmem:s10], [sflag:s15] =	dma.local @!p0 [hbm:s3], $0x1E850  }
0x16: {  	s15 =	simm.s32 @!p0 $0x2  }
0x17: {  	_ =	swait.ge @!p0 [sflag:s15], $0x1E850  }
0x18: {  	[sflag:s15] =	ssyncset.done @!p0 $0x0  }
0x19: {  	[sflag:s15] =	ssyncadd.s32 @!p0 $0xFFFE17B0  }
0x1a: {  	s16 =	simm.s32 $0x0;
	[bflag:$0x0] =	sbarrier.arrive $0xFFFF  }
0x1b: {  	[tilespmem:s11], [sflag:$0x1] =	stream.indirect.gather [spmem:s1], $0x1, s2, s11, $0xb8;
	[tilespmem:$0x1C528] =	vst v63  }
0x1c: {  	v3 =	vld [tilespmem:s16+$0x0];
	_ =	sdelay $0x2  }
0x1d: {  	v1 =	vimm.f32 $0.0e+00;
	v2 =	vimm.f32 $0.0e+00;
	s15 =	simm.s32 $0x200  }
.LBB2_2:
0x1e: {  	p1 =	sne.s32 s15, $0x19E00  }
.Ltmp0:
0x1f: {  	s16 =	sshra.s32 s15, $0x2;
	s15 =	sadd.s32 $0x200, s15;
	vm0 =	vlt.s32 v3, $0x1;
	(pc) =	sbr.rel @p1 .LBB2_2-.Ltmp0, $3  }
0x20: {  	v4 =	vnsel vm0, $0x1, v3;
	v3 =	vld [tilespmem:s16+$0x0]  }
0x21: {  	v4 =	vcvt.s32.f32 v4;
	_ =	sdelay $0x1  }
0x22: {  	v2 =	vadd.f32 v4, v2  }
0x23: {  	_ = 	snop  }
0x24: {  	vm0 =	vlt.s32 v3, $0x1  }
0x25: {  	v3 =	vnsel vm0, $0x1, v3  }
0x26: {  	v3 =	vcvt.s32.f32 v3  }
0x27: {  	s16 =	simm.s32 $0x10  }
0x28: {  	v8 =	vadd.f32 v3, v2;
	v2 =	vld [tilespmem:s16+$0x0];
	_ =	sdelay $0x2  }
0x29: {  	s15 =	simm.s32 $0x240  }
.LBB2_4:
0x2a: {  	p1 =	sne.s32 s15, $0x19E40  }
.Ltmp1:
0x2b: {  	s16 =	sshra.s32 s15, $0x2;
	s15 =	sadd.s32 $0x200, s15;
	vm0 =	vlt.s32 v2, $0x1;
	(pc) =	sbr.rel @p1 .LBB2_4-.Ltmp1, $3  }
0x2c: {  	v3 =	vnsel vm0, $0x1, v2;
	v2 =	vld [tilespmem:s16+$0x0]  }
0x2d: {  	v3 =	vcvt.s32.f32 v3;
	_ =	sdelay $0x1  }
0x2e: {  	v1 =	vadd.f32 v3, v1  }
0x2f: {  	_ = 	snop  }
0x30: {  	s16 =	simm.s32 $0x20;
	vm0 =	vlt.s32 v2, $0x1  }
0x31: {  	v3 =	vld [tilespmem:s16+$0x0];
	v2 =	vnsel vm0, $0x1, v2  }
0x32: {  	v2 =	vcvt.s32.f32 v2;
	_ =	sdelay $0x1  }
0x33: {  	s15 =	simm.s32 $0x280;
	v7 =	vadd.f32 v2, v1;
	v1 =	vimm.f32 $0.0e+00;
	v2 =	vimm.f32 $0.0e+00  }
.LBB2_6:
0x34: {  	p1 =	sne.s32 s15, $0x19E80  }
.Ltmp2:
0x35: {  	s16 =	sshra.s32 s15, $0x2;
	s15 =	sadd.s32 $0x200, s15;
	vm0 =	vlt.s32 v3, $0x1;
	(pc) =	sbr.rel @p1 .LBB2_6-.Ltmp2, $3  }
0x36: {  	v4 =	vnsel vm0, $0x1, v3;
	v3 =	vld [tilespmem:s16+$0x0]  }
0x37: {  	v4 =	vcvt.s32.f32 v4;
	_ =	sdelay $0x1  }
0x38: {  	v2 =	vadd.f32 v4, v2  }
0x39: {  	_ = 	snop  }
0x3a: {  	vm0 =	vlt.s32 v3, $0x1  }
0x3b: {  	v3 =	vnsel vm0, $0x1, v3  }
0x3c: {  	v3 =	vcvt.s32.f32 v3  }
0x3d: {  	s16 =	simm.s32 $0x30  }
0x3e: {  	v6 =	vadd.f32 v3, v2;
	v2 =	vld [tilespmem:s16+$0x0];
	_ =	sdelay $0x2  }
0x3f: {  	s15 =	simm.s32 $0x2C0  }
.LBB2_8:
0x40: {  	p1 =	sne.s32 s15, $0x19EC0  }
.Ltmp3:
0x41: {  	s16 =	sshra.s32 s15, $0x2;
	s15 =	sadd.s32 $0x200, s15;
	vm0 =	vlt.s32 v2, $0x1;
	(pc) =	sbr.rel @p1 .LBB2_8-.Ltmp3, $3  }
0x42: {  	v3 =	vnsel vm0, $0x1, v2;
	v2 =	vld [tilespmem:s16+$0x0]  }
0x43: {  	v3 =	vcvt.s32.f32 v3;
	_ =	sdelay $0x1  }
0x44: {  	v1 =	vadd.f32 v3, v1  }
0x45: {  	_ = 	snop  }
0x46: {  	s16 =	simm.s32 $0x40;
	vm0 =	vlt.s32 v2, $0x1  }
0x47: {  	v3 =	vld [tilespmem:s16+$0x0];
	v2 =	vnsel vm0, $0x1, v2  }
0x48: {  	v2 =	vcvt.s32.f32 v2;
	_ =	sdelay $0x1  }
0x49: {  	s15 =	simm.s32 $0x300;
	v5 =	vadd.f32 v2, v1;
	v1 =	vimm.f32 $0.0e+00;
	v2 =	vimm.f32 $0.0e+00  }
.LBB2_10:
0x4a: {  	p1 =	sne.s32 s15, $0x19F00  }
.Ltmp4:
0x4b: {  	s16 =	sshra.s32 s15, $0x2;
	s15 =	sadd.s32 $0x200, s15;
	vm0 =	vlt.s32 v3, $0x1;
	(pc) =	sbr.rel @p1 .LBB2_10-.Ltmp4, $3  }
0x4c: {  	v4 =	vnsel vm0, $0x1, v3;
	v3 =	vld [tilespmem:s16+$0x0]  }
0x4d: {  	v4 =	vcvt.s32.f32 v4;
	_ =	sdelay $0x1  }
0x4e: {  	v2 =	vadd.f32 v4, v2  }
0x4f: {  	_ = 	snop  }
0x50: {  	vm0 =	vlt.s32 v3, $0x1  }
0x51: {  	v3 =	vnsel vm0, $0x1, v3  }
0x52: {  	v3 =	vcvt.s32.f32 v3  }
0x53: {  	s16 =	simm.s32 $0x50  }
0x54: {  	v4 =	vadd.f32 v3, v2;
	v2 =	vld [tilespmem:s16+$0x0];
	_ =	sdelay $0x2  }
0x55: {  	s15 =	simm.s32 $0x340  }
.LBB2_12:
0x56: {  	p1 =	sne.s32 s15, $0x19F40  }
.Ltmp5:
0x57: {  	s16 =	sshra.s32 s15, $0x2;
	s15 =	sadd.s32 $0x200, s15;
	vm0 =	vlt.s32 v2, $0x1;
	(pc) =	sbr.rel @p1 .LBB2_12-.Ltmp5, $3  }
0x58: {  	v3 =	vnsel vm0, $0x1, v2;
	v2 =	vld [tilespmem:s16+$0x0]  }
0x59: {  	v3 =	vcvt.s32.f32 v3;
	_ =	sdelay $0x1  }
0x5a: {  	v1 =	vadd.f32 v3, v1  }
0x5b: {  	_ = 	snop  }
0x5c: {  	s16 =	simm.s32 $0x60;
	vm0 =	vlt.s32 v2, $0x1  }
0x5d: {  	v9 =	vld [tilespmem:s16+$0x0];
	v2 =	vnsel vm0, $0x1, v2  }
0x5e: {  	v2 =	vcvt.s32.f32 v2;
	_ =	sdelay $0x1  }
0x5f: {  	s15 =	simm.s32 $0x380;
	v3 =	vadd.f32 v2, v1;
	v1 =	vimm.f32 $0.0e+00;
	v2 =	vimm.f32 $0.0e+00  }
.LBB2_14:
0x60: {  	p1 =	sne.s32 s15, $0x19F80  }
.Ltmp6:
0x61: {  	s16 =	sshra.s32 s15, $0x2;
	s15 =	sadd.s32 $0x200, s15;
	vm0 =	vlt.s32 v9, $0x1;
	(pc) =	sbr.rel @p1 .LBB2_14-.Ltmp6, $3  }
0x62: {  	v10 =	vnsel vm0, $0x1, v9;
	v9 =	vld [tilespmem:s16+$0x0]  }
0x63: {  	v10 =	vcvt.s32.f32 v10;
	_ =	sdelay $0x1  }
0x64: {  	v2 =	vadd.f32 v10, v2  }
0x65: {  	_ = 	snop  }
0x66: {  	vm0 =	vlt.s32 v9, $0x1  }
0x67: {  	v9 =	vnsel vm0, $0x1, v9  }
0x68: {  	v9 =	vcvt.s32.f32 v9  }
0x69: {  	s16 =	simm.s32 $0x70  }
0x6a: {  	v2 =	vadd.f32 v9, v2;
	v9 =	vld [tilespmem:s16+$0x0];
	_ =	sdelay $0x2  }
0x6b: {  	s15 =	simm.s32 $0x3C0  }
.LBB2_16:
0x6c: {  	p1 =	sne.s32 s15, $0x19FC0  }
.Ltmp7:
0x6d: {  	s16 =	sshra.s32 s15, $0x2;
	s15 =	sadd.s32 $0x200, s15;
	vm0 =	vlt.s32 v9, $0x1;
	(pc) =	sbr.rel @p1 .LBB2_16-.Ltmp7, $3  }
0x6e: {  	v10 =	vnsel vm0, $0x1, v9;
	v9 =	vld [tilespmem:s16+$0x0]  }
0x6f: {  	v10 =	vcvt.s32.f32 v10;
	_ =	sdelay $0x1  }
0x70: {  	v1 =	vadd.f32 v10, v1  }
0x71: {  	_ = 	snop  }
0x72: {  	vm0 =	vlt.s32 v9, $0x1  }
0x73: {  	_ =	swait.ge [sflag:s12], $0x6800;
	v9 =	vnsel vm0, $0x1, v9  }
0x74: {  	[sflag:s12] =	ssyncset.done $0x0;
	v9 =	vcvt.s32.f32 v9  }
0x75: {  	s16 =	simm.s32 $0x0;
	[sflag:s12] =	ssyncadd.s32 $0xFFFF9800  }
0x76: {  	s15 =	simm.s32 $0x200;
	v10 =	vld [tilespmem:s16+$0x6800];
	v1 =	vadd.f32 v9, v1;
	v9 =	vimm.f32 $0.0e+00  }
.LBB2_18:
0x77: {  	p1 =	sne.s32 s15, $0x19E00  }
.Ltmp8:
0x78: {  	_ = 	snop;
	(pc) =	sbr.rel @p1 .LBB2_18-.Ltmp8, $3  }
0x79: {  	_ =	sdelay $0x1  }
0x7a: {  	s16 =	sshra.s32 s15, $0x2;
	s15 =	sadd.s32 $0x200, s15;
	v9 =	vadd.f32 v10, v9  }
0x7b: {  	v10 =	vld [tilespmem:s16+$0x6800]  }
0x7c: {  	v8 =	vadd.f32 $9.999999930e-09, v8;
	_ =	sdelay $0x1  }
0x7d: {  	(erf) = vrcp.f32 v8;
	_ =	sdelay $0x7  }
0x7e: {  	v8 =	vadd.f32 v10, v9  }
0x7f: {  	v9 =	vpop (erf)  }
0x80: {  	v8 =	vmul.f32 v8, v9;
	_ =	sdelay $0x1  }
0x81: {  	v8 =	vadd.f32 v8, v0;
	_ =	sdelay $0x1  }
0x82: {  	v8 =	vsub.f32 $0.0e+00, v8;
	_ =	sdelay $0x1  }
0x83: {  	v8 =	vmul.f32 $1.442695020e+00, v8;
	_ =	sdelay $0x1  }
0x84: {  	(erf) = vpow2.f32 v8;
	_ =	sdelay $0x8  }
0x85: {  	v8 =	vpop (erf)  }
0x86: {  	v8 =	vadd.f32 $1.000000000e+00, v8;
	_ =	sdelay $0x1  }
0x87: {  	(erf) = vrcp.f32 v8;
	_ =	sdelay $0x8  }
0x88: {  	v8 =	vpop (erf)  }
0x89: {  	s16 =	simm.s32 $0x10;
	[tilespmem:$0xD000] =	vst v8  }
0x8a: {  	s15 =	simm.s32 $0x240;
	v8 =	vimm.f32 $0.0e+00;
	v9 =	vld [tilespmem:s16+$0x6800]  }
.LBB2_20:
0x8b: {  	p1 =	sne.s32 s15, $0x19E40  }
.Ltmp9:
0x8c: {  	_ = 	snop;
	(pc) =	sbr.rel @p1 .LBB2_20-.Ltmp9, $3  }
0x8d: {  	_ =	sdelay $0x1  }
0x8e: {  	s16 =	sshra.s32 s15, $0x2;
	s15 =	sadd.s32 $0x200, s15;
	v8 =	vadd.f32 v9, v8  }
0x8f: {  	v9 =	vld [tilespmem:s16+$0x6800]  }
0x90: {  	v7 =	vadd.f32 $9.999999930e-09, v7;
	_ =	sdelay $0x1  }
0x91: {  	(erf) = vrcp.f32 v7;
	_ =	sdelay $0x7  }
0x92: {  	v7 =	vadd.f32 v9, v8  }
0x93: {  	v8 =	vpop (erf)  }
0x94: {  	v7 =	vmul.f32 v7, v8;
	_ =	sdelay $0x1  }
0x95: {  	v7 =	vadd.f32 v7, v0;
	_ =	sdelay $0x1  }
0x96: {  	v7 =	vsub.f32 $0.0e+00, v7;
	_ =	sdelay $0x1  }
0x97: {  	v7 =	vmul.f32 $1.442695020e+00, v7;
	_ =	sdelay $0x1  }
0x98: {  	(erf) = vpow2.f32 v7;
	_ =	sdelay $0x8  }
0x99: {  	v7 =	vpop (erf)  }
0x9a: {  	v7 =	vadd.f32 $1.000000000e+00, v7;
	_ =	sdelay $0x1  }
0x9b: {  	(erf) = vrcp.f32 v7;
	_ =	sdelay $0x8  }
0x9c: {  	v7 =	vpop (erf)  }
0x9d: {  	s16 =	simm.s32 $0x20;
	[tilespmem:$0xD010] =	vst v7  }
0x9e: {  	s15 =	simm.s32 $0x280;
	v7 =	vimm.f32 $0.0e+00;
	v8 =	vld [tilespmem:s16+$0x6800]  }
.LBB2_22:
0x9f: {  	p1 =	sne.s32 s15, $0x19E80  }
.Ltmp10:
0xa0: {  	_ = 	snop;
	(pc) =	sbr.rel @p1 .LBB2_22-.Ltmp10, $3  }
0xa1: {  	_ =	sdelay $0x1  }
0xa2: {  	s16 =	sshra.s32 s15, $0x2;
	s15 =	sadd.s32 $0x200, s15;
	v7 =	vadd.f32 v8, v7  }
0xa3: {  	v8 =	vld [tilespmem:s16+$0x6800]  }
0xa4: {  	v6 =	vadd.f32 $9.999999930e-09, v6;
	_ =	sdelay $0x1  }
0xa5: {  	(erf) = vrcp.f32 v6;
	_ =	sdelay $0x7  }
0xa6: {  	v6 =	vadd.f32 v8, v7  }
0xa7: {  	v7 =	vpop (erf)  }
0xa8: {  	v6 =	vmul.f32 v6, v7;
	_ =	sdelay $0x1  }
0xa9: {  	v6 =	vadd.f32 v6, v0;
	_ =	sdelay $0x1  }
0xaa: {  	v6 =	vsub.f32 $0.0e+00, v6;
	_ =	sdelay $0x1  }
0xab: {  	v6 =	vmul.f32 $1.442695020e+00, v6;
	_ =	sdelay $0x1  }
0xac: {  	(erf) = vpow2.f32 v6;
	_ =	sdelay $0x8  }
0xad: {  	v6 =	vpop (erf)  }
0xae: {  	v6 =	vadd.f32 $1.000000000e+00, v6;
	_ =	sdelay $0x1  }
0xaf: {  	(erf) = vrcp.f32 v6;
	_ =	sdelay $0x8  }
0xb0: {  	v6 =	vpop (erf)  }
0xb1: {  	s16 =	simm.s32 $0x30;
	[tilespmem:$0xD020] =	vst v6  }
0xb2: {  	s15 =	simm.s32 $0x2C0;
	v6 =	vimm.f32 $0.0e+00;
	v7 =	vld [tilespmem:s16+$0x6800]  }
.LBB2_24:
0xb3: {  	p1 =	sne.s32 s15, $0x19EC0  }
.Ltmp11:
0xb4: {  	_ = 	snop;
	(pc) =	sbr.rel @p1 .LBB2_24-.Ltmp11, $3  }
0xb5: {  	_ =	sdelay $0x1  }
0xb6: {  	s16 =	sshra.s32 s15, $0x2;
	s15 =	sadd.s32 $0x200, s15;
	v6 =	vadd.f32 v7, v6  }
0xb7: {  	v7 =	vld [tilespmem:s16+$0x6800]  }
0xb8: {  	v5 =	vadd.f32 $9.999999930e-09, v5;
	_ =	sdelay $0x1  }
0xb9: {  	(erf) = vrcp.f32 v5;
	_ =	sdelay $0x7  }
0xba: {  	v5 =	vadd.f32 v7, v6  }
0xbb: {  	v6 =	vpop (erf)  }
0xbc: {  	v5 =	vmul.f32 v5, v6;
	_ =	sdelay $0x1  }
0xbd: {  	v5 =	vadd.f32 v5, v0;
	_ =	sdelay $0x1  }
0xbe: {  	v5 =	vsub.f32 $0.0e+00, v5;
	_ =	sdelay $0x1  }
0xbf: {  	v5 =	vmul.f32 $1.442695020e+00, v5;
	_ =	sdelay $0x1  }
0xc0: {  	(erf) = vpow2.f32 v5;
	_ =	sdelay $0x8  }
0xc1: {  	v5 =	vpop (erf)  }
0xc2: {  	v5 =	vadd.f32 $1.000000000e+00, v5;
	_ =	sdelay $0x1  }
0xc3: {  	(erf) = vrcp.f32 v5;
	_ =	sdelay $0x8  }
0xc4: {  	v5 =	vpop (erf)  }
0xc5: {  	s16 =	simm.s32 $0x40;
	[tilespmem:$0xD030] =	vst v5  }
0xc6: {  	s15 =	simm.s32 $0x300;
	v5 =	vimm.f32 $0.0e+00;
	v6 =	vld [tilespmem:s16+$0x6800]  }
.LBB2_26:
0xc7: {  	p1 =	sne.s32 s15, $0x19F00  }
.Ltmp12:
0xc8: {  	_ = 	snop;
	(pc) =	sbr.rel @p1 .LBB2_26-.Ltmp12, $3  }
0xc9: {  	_ =	sdelay $0x1  }
0xca: {  	s16 =	sshra.s32 s15, $0x2;
	s15 =	sadd.s32 $0x200, s15;
	v5 =	vadd.f32 v6, v5  }
0xcb: {  	v6 =	vld [tilespmem:s16+$0x6800]  }
0xcc: {  	v4 =	vadd.f32 $9.999999930e-09, v4;
	_ =	sdelay $0x1  }
0xcd: {  	(erf) = vrcp.f32 v4;
	_ =	sdelay $0x7  }
0xce: {  	v4 =	vadd.f32 v6, v5  }
0xcf: {  	v5 =	vpop (erf)  }
0xd0: {  	v4 =	vmul.f32 v4, v5;
	_ =	sdelay $0x1  }
0xd1: {  	v4 =	vadd.f32 v4, v0;
	_ =	sdelay $0x1  }
0xd2: {  	v4 =	vsub.f32 $0.0e+00, v4;
	_ =	sdelay $0x1  }
0xd3: {  	v4 =	vmul.f32 $1.442695020e+00, v4;
	_ =	sdelay $0x1  }
0xd4: {  	(erf) = vpow2.f32 v4;
	_ =	sdelay $0x8  }
0xd5: {  	v4 =	vpop (erf)  }
0xd6: {  	v4 =	vadd.f32 $1.000000000e+00, v4;
	_ =	sdelay $0x1  }
0xd7: {  	(erf) = vrcp.f32 v4;
	_ =	sdelay $0x8  }
0xd8: {  	v4 =	vpop (erf)  }
0xd9: {  	s16 =	simm.s32 $0x50;
	[tilespmem:$0xD040] =	vst v4  }
0xda: {  	s15 =	simm.s32 $0x340;
	v4 =	vimm.f32 $0.0e+00;
	v5 =	vld [tilespmem:s16+$0x6800]  }
.LBB2_28:
0xdb: {  	p1 =	sne.s32 s15, $0x19F40  }
.Ltmp13:
0xdc: {  	_ = 	snop;
	(pc) =	sbr.rel @p1 .LBB2_28-.Ltmp13, $3  }
0xdd: {  	_ =	sdelay $0x1  }
0xde: {  	s16 =	sshra.s32 s15, $0x2;
	s15 =	sadd.s32 $0x200, s15;
	v4 =	vadd.f32 v5, v4  }
0xdf: {  	v5 =	vld [tilespmem:s16+$0x6800]  }
0xe0: {  	v3 =	vadd.f32 $9.999999930e-09, v3;
	_ =	sdelay $0x1  }
0xe1: {  	(erf) = vrcp.f32 v3;
	_ =	sdelay $0x7  }
0xe2: {  	v3 =	vadd.f32 v5, v4  }
0xe3: {  	v4 =	vpop (erf)  }
0xe4: {  	v3 =	vmul.f32 v3, v4;
	_ =	sdelay $0x1  }
0xe5: {  	v3 =	vadd.f32 v3, v0;
	_ =	sdelay $0x1  }
0xe6: {  	v3 =	vsub.f32 $0.0e+00, v3;
	_ =	sdelay $0x1  }
0xe7: {  	v3 =	vmul.f32 $1.442695020e+00, v3;
	_ =	sdelay $0x1  }
0xe8: {  	(erf) = vpow2.f32 v3;
	_ =	sdelay $0x8  }
0xe9: {  	v3 =	vpop (erf)  }
0xea: {  	v3 =	vadd.f32 $1.000000000e+00, v3;
	_ =	sdelay $0x1  }
0xeb: {  	(erf) = vrcp.f32 v3;
	_ =	sdelay $0x8  }
0xec: {  	v3 =	vpop (erf)  }
0xed: {  	s16 =	simm.s32 $0x60;
	[tilespmem:$0xD050] =	vst v3  }
0xee: {  	s15 =	simm.s32 $0x380;
	v3 =	vimm.f32 $0.0e+00;
	v4 =	vld [tilespmem:s16+$0x6800]  }
.LBB2_30:
0xef: {  	p1 =	sne.s32 s15, $0x19F80  }
.Ltmp14:
0xf0: {  	_ = 	snop;
	(pc) =	sbr.rel @p1 .LBB2_30-.Ltmp14, $3  }
0xf1: {  	_ =	sdelay $0x1  }
0xf2: {  	s16 =	sshra.s32 s15, $0x2;
	s15 =	sadd.s32 $0x200, s15;
	v3 =	vadd.f32 v4, v3  }
0xf3: {  	v4 =	vld [tilespmem:s16+$0x6800]  }
0xf4: {  	v2 =	vadd.f32 $9.999999930e-09, v2;
	_ =	sdelay $0x1  }
0xf5: {  	(erf) = vrcp.f32 v2;
	_ =	sdelay $0x7  }
0xf6: {  	v2 =	vadd.f32 v4, v3  }
0xf7: {  	v3 =	vpop (erf)  }
0xf8: {  	v2 =	vmul.f32 v2, v3;
	_ =	sdelay $0x1  }
0xf9: {  	v2 =	vadd.f32 v2, v0;
	_ =	sdelay $0x1  }
0xfa: {  	v2 =	vsub.f32 $0.0e+00, v2;
	_ =	sdelay $0x1  }
0xfb: {  	v2 =	vmul.f32 $1.442695020e+00, v2;
	_ =	sdelay $0x1  }
0xfc: {  	(erf) = vpow2.f32 v2;
	_ =	sdelay $0x8  }
0xfd: {  	v2 =	vpop (erf)  }
0xfe: {  	v2 =	vadd.f32 $1.000000000e+00, v2;
	_ =	sdelay $0x1  }
0xff: {  	(erf) = vrcp.f32 v2;
	_ =	sdelay $0x8  }
0x100: {  	v2 =	vpop (erf)  }
0x101: {  	s16 =	simm.s32 $0x70;
	[tilespmem:$0xD060] =	vst v2  }
0x102: {  	s15 =	simm.s32 $0x3C0;
	v2 =	vimm.f32 $0.0e+00;
	v3 =	vld [tilespmem:s16+$0x6800]  }
.LBB2_32:
0x103: {  	p1 =	sne.s32 s15, $0x19FC0  }
.Ltmp15:
0x104: {  	_ = 	snop;
	(pc) =	sbr.rel @p1 .LBB2_32-.Ltmp15, $3  }
0x105: {  	_ =	sdelay $0x1  }
0x106: {  	s16 =	sshra.s32 s15, $0x2;
	s15 =	sadd.s32 $0x200, s15;
	v2 =	vadd.f32 v3, v2  }
0x107: {  	v3 =	vld [tilespmem:s16+$0x6800]  }
0x108: {  	v1 =	vadd.f32 $9.999999930e-09, v1;
	_ =	sdelay $0x1  }
0x109: {  	(erf) = vrcp.f32 v1;
	_ =	sdelay $0x7  }
0x10a: {  	v62 =	vadd.f32 v3, v2  }
0x10b: {  	v63 =	vpop (erf)  }
0x10c: {  	v1 =	vmul.f32 v62, v63;
	_ =	sdelay $0x1  }
0x10d: {  	v0 =	vadd.f32 v1, v0;
	_ =	sdelay $0x1  }
0x10e: {  	v0 =	vsub.f32 $0.0e+00, v0;
	_ =	sdelay $0x1  }
0x10f: {  	v0 =	vmul.f32 $1.442695020e+00, v0;
	_ =	sdelay $0x1  }
0x110: {  	(erf) = vpow2.f32 v0;
	_ =	sdelay $0x8  }
0x111: {  	v0 =	vpop (erf)  }
0x112: {  	v0 =	vadd.f32 $1.000000000e+00, v0;
	_ =	sdelay $0x1  }
0x113: {  	(erf) = vrcp.f32 v0;
	_ =	sdelay $0x7  }
0x114: {  	s14 =	sadd.s32 $0x1, s14  }
0x115: {  	p1 =	sne.s32 s14, s7;
	v0 =	vpop (erf)  }
.Ltmp16:
0x116: {  	[tilespmem:$0xD070] =	vst v0;
	(pc) =	sbr.rel @p1 .LBB2_1-.Ltmp16, $4  }
0x117: {  	[hbm4b:s6+s2] =	stream.linear.scatter [tilespmem:s13], [sflag:$0x2], $0x80, $0x38;
	[tilespmem:$0x1C528] =	vst v63  }
0x118: {  	_ =	swait.ge [sflag:s8], $0x80  }
0x119: {  	[sflag:s8] =	ssyncset.done $0x0  }
0x11a: {  	[sflag:s8] =	ssyncadd.s32 $0xFFFFFF80  }
0x11b: {  	_ =	sfence.sel $0x180000  }
0x11c: {  	[bflag:$0x0] =	sbarrier.arrive $0xFFFF  }
0x11d: {  	_ =	strace $0x90000047  }
0x11e: {  	s0 =	sadd.s32 @!p0 $0x100000, s0;
	[bflag:$0x2] =	sbarrier.arrive $0xFFFF  }
0x11f: {  	[sflag:s0] =	ssyncadd.tile.s32 @!p0 $0x1;
	_ =	shalt  }
.Lfunc_end2:
_tile_overlayer_lowered:
.L_overlay_start_2:
0x120: {  	(tag) =	ssettag $0x2  }
0x121: {  	s0 =	rddreg [dreg:$0x0];
	s2 =	stileid.u32  }
0x122: {  	s1 =	rddreg [dreg:$0x1];
	p0 =	sne.s32 s2, $0x0  }
0x123: {  	s3 =	rddreg [dreg:$0x2];
	[bflag:$0x3] =	sbarrier.arrive $0xFFFF;
	s2 =	simm.s32 @!p0 $0x1C02  }
0x124: {  	[timem:s3], [sflag:s2] =	dma.local @!p0 [hbm:s0], s1  }
0x125: {  	s0 =	simm.s32 @!p0 $0x2  }
0x126: {  	_ =	swait.ge @!p0 [sflag:s0], s1  }
0x127: {  	s1 =	ssub.s32 @!p0 $0x0, s1;
	[sflag:s0] =	ssyncset.done @!p0 $0x0  }
0x128: {  	[sflag:s0] =	ssyncadd.s32 @!p0 s1  }
0x129: {  	[bflag:$0x3] =	sbarrier.arrive $0xFFFF  }
0x12a: {  	_ =	shalt  }

</sc_bundles>
